<compile_context>
chip_gen: v7x
topology: tpu7x:2x2x1
jax: 0.10.2.dev20260603
libtpu: 0.0.44.dev20260713+nightly
codegen_flags: <defaults>
</compile_context>

<pallas_src>
import functools

import jax
import jax.numpy as jnp
import numpy as np
from jax import lax
from jax.experimental import pallas as pl
from jax.experimental.pallas import tpu as pltpu
from jax.experimental.pallas import tpu_sc as plsc

TOP_K = 48
NUM_RBF = 16
MAX_REL = 32
NUM_POS = 16

_ATOM = {"N": 0, "Ca": 1, "C": 2, "O": 3, "Cb": 4}
_PAIRS = [("Ca", "Ca"),
          ("N", "N"), ("C", "C"), ("O", "O"), ("Cb", "Cb"), ("Ca", "N"),
          ("Ca", "C"), ("Ca", "O"), ("Ca", "Cb"), ("N", "C"), ("N", "O"),
          ("N", "Cb"), ("Cb", "C"), ("Cb", "O"), ("O", "C"), ("N", "Ca"),
          ("C", "Ca"), ("O", "Ca"), ("Cb", "Ca"), ("C", "N"), ("O", "N"),
          ("Cb", "N"), ("C", "Cb"), ("O", "Cb"), ("C", "O")]
NPAIR = len(_PAIRS)
FDIM = NPAIR * NUM_RBF


def _sel_mats():
    ma = np.zeros((16, 3 * NPAIR), np.float32)
    mb = np.zeros((16, 3 * NPAIR), np.float32)
    s = np.zeros((3 * NPAIR, NPAIR), np.float32)
    exp = np.zeros((NPAIR, FDIM), np.float32)
    for p, (a, b) in enumerate(_PAIRS):
        for c in range(3):
            ma[3 * _ATOM[a] + c, 3 * p + c] = 1.0
            mb[3 * _ATOM[b] + c, 3 * p + c] = 1.0
            s[3 * p + c, p] = 1.0
        exp[p, p * NUM_RBF:(p + 1) * NUM_RBF] = 1.0
    return ma, mb, s, exp


_MA_NP, _MB_NP, _S_NP, _EXP_NP = _sel_mats()
_MU_NP = np.tile(np.linspace(2.0, 22.0, NUM_RBF, dtype=np.float32), NPAIR)[None, :]
_SIGMA = (22.0 - 2.0) / NUM_RBF


def _topk_body(tbl_ref, cat_ref, eidx_ref, flat_ref, dpos_ref, *, rq, ll):
    kx = cat_ref[0, 0:1, :]
    ky = cat_ref[0, 1:2, :]
    kz = cat_ref[0, 2:3, :]
    h = rq // 2
    ds = []
    lanes = lax.broadcasted_iota(jnp.int32, (h, ll), 1)
    for p in range(2):
        qx = tbl_ref[p * h:(p + 1) * h, 3:4]
        qy = tbl_ref[p * h:(p + 1) * h, 4:5]
        qz = tbl_ref[p * h:(p + 1) * h, 5:6]
        dx = qx - kx
        dy = qy - ky
        dz = qz - kz
        ds.append(jnp.sqrt((dx * dx + dy * dy) + dz * dz + 1e-6))
    cols = [[], []]
    for _ in range(TOP_K):
        for p in range(2):
            d = ds[p]
            idx = jnp.argmin(d, axis=1, keepdims=True).astype(jnp.int32)
            cols[p].append(idx)
            ds[p] = jnp.where(lanes == idx, jnp.inf, d)
    eidx = jnp.concatenate(
        [jnp.concatenate(cols[0], axis=1), jnp.concatenate(cols[1], axis=1)],
        axis=0)
    eidx_ref[...] = eidx
    flat_ref[...] = eidx + pl.program_id(0) * ll
    iloc = (pl.program_id(1) * rq
            + lax.broadcasted_iota(jnp.int32, (rq, TOP_K), 0))
    dpos_ref[...] = jnp.clip(
        iloc - eidx + MAX_REL, 0, 2 * MAX_REL).astype(jnp.float32)


def _topk_call(tbl, cat, batch, ll, rq=512):
    nq = ll // rq
    grid = (batch, nq)
    out = pl.pallas_call(
        functools.partial(_topk_body, rq=rq, ll=ll),
        grid=grid,
        in_specs=[
            pl.BlockSpec((rq, 16), lambda b, q: (b * nq + q, 0)),
            pl.BlockSpec((1, 3, ll), lambda b, q: (b, 0, 0)),
        ],
        out_specs=[
            pl.BlockSpec((rq, TOP_K), lambda b, q: (b * nq + q, 0)),
            pl.BlockSpec((rq, TOP_K), lambda b, q: (b * nq + q, 0)),
            pl.BlockSpec((rq, TOP_K), lambda b, q: (b * nq + q, 0)),
        ],
        out_shape=[
            jax.ShapeDtypeStruct((batch * ll, TOP_K), jnp.int32),
            jax.ShapeDtypeStruct((batch * ll, TOP_K), jnp.int32),
            jax.ShapeDtypeStruct((batch * ll, TOP_K), jnp.float32),
        ],
    )(tbl, cat)
    return out


def _sc_gather(table, idx3, n_edges, chunks, per_chunk):
    info = plsc.get_sparse_core_info()
    nc, ns = info.num_cores, info.num_subcores
    nw = nc * ns
    b_per_w = n_edges // nw
    mesh = plsc.VectorSubcoreMesh(core_axis_name="c", subcore_axis_name="s")

    @functools.partial(
        pl.kernel, mesh=mesh,
        compiler_params=pltpu.CompilerParams(use_tc_tiling_on_sc=False),
        out_type=jax.ShapeDtypeStruct((n_edges, 16), jnp.float32),
        scratch_types=[
            pltpu.VMEM((chunks, per_chunk), jnp.int32),
            pltpu.VMEM((b_per_w, 16), jnp.float32),
            pltpu.SemaphoreType.DMA,
        ],
    )
    def k(table_hbm, idx_hbm, out_hbm, idx_v, rows_v, sem):
        wid = lax.axis_index("s") * nc + lax.axis_index("c")
        pltpu.sync_copy(idx_hbm.at[wid], idx_v)
        copies = []
        for j in range(chunks):
            copies.append(pltpu.async_copy(
                table_hbm.at[idx_v.at[j]],
                rows_v.at[pl.ds(j * per_chunk, per_chunk), :], sem))
        for c in copies:
            c.wait()
        pltpu.sync_copy(rows_v, out_hbm.at[pl.ds(wid * b_per_w, b_per_w)])

    return k(table, idx3)


def _feat_body(tbl_ref, g_ref, dp_ref, rep_ref, ma_ref, mb_ref, s_ref,
               exp_ref, mu_ref, io_ref, wd_ref, wrbf_ref, bd_ref, gam_ref,
               bet_ref, out_ref, *, ne):
    q = tbl_ref[...]
    g = g_ref[...]
    qrep = jnp.dot(rep_ref[...], q, preferred_element_type=jnp.float32)
    d75 = (jnp.dot(qrep, ma_ref[...], preferred_element_type=jnp.float32)
           - jnp.dot(g, mb_ref[...], preferred_element_type=jnp.float32))
    sq = d75 * d75
    d2 = jnp.dot(sq, s_ref[...], preferred_element_type=jnp.float32)
    d25 = jnp.sqrt(d2 + 1e-6)
    d400 = jnp.dot(d25, exp_ref[...], preferred_element_type=jnp.float32)
    rbf = jnp.exp(-(((d400 - mu_ref[...]) / _SIGMA) ** 2))
    oh = jnp.where(dp_ref[...] == io_ref[...], 1.0, 0.0)
    e = (jnp.dot(oh, wd_ref[...], preferred_element_type=jnp.float32)
         + jnp.dot(rbf, wrbf_ref[...], preferred_element_type=jnp.float32)
         + bd_ref[...])
    mu = jnp.mean(e, axis=1, keepdims=True)
    xc = e - mu
    var = jnp.mean(xc * xc, axis=1, keepdims=True)
    out_ref[...] = xc * lax.rsqrt(var + 1e-5) * gam_ref[...] + bet_ref[...]


def _feat_call(tbl, g, dp, rep, ma, mb, s, exp, mu, io, wd, wrbf, bd,
               gam, bet, n_res, rq2=32):
    ne = rq2 * TOP_K
    grid = (n_res // rq2,)
    full = lambda i: (0, 0)
    return pl.pallas_call(
        functools.partial(_feat_body, ne=ne),
        grid=grid,
        in_specs=[
            pl.BlockSpec((rq2, 16), lambda i: (i, 0)),
            pl.BlockSpec((ne, 16), lambda i: (i, 0)),
            pl.BlockSpec((ne, 1), lambda i: (i, 0)),
            pl.BlockSpec((ne, rq2), full),
            pl.BlockSpec((16, 3 * NPAIR), full),
            pl.BlockSpec((16, 3 * NPAIR), full),
            pl.BlockSpec((3 * NPAIR, NPAIR), full),
            pl.BlockSpec((NPAIR, FDIM), full),
            pl.BlockSpec((1, FDIM), full),
            pl.BlockSpec((1, 66), full),
            pl.BlockSpec((66, 128), full),
            pl.BlockSpec((FDIM, 128), full),
            pl.BlockSpec((1, 128), full),
            pl.BlockSpec((1, 128), full),
            pl.BlockSpec((1, 128), full),
        ],
        out_specs=pl.BlockSpec((ne, 128), lambda i: (i, 0)),
        out_shape=jax.ShapeDtypeStruct((n_res * TOP_K, 128), jnp.float32),
    )(tbl, g, dp, rep, ma, mb, s, exp, mu, io, wd, wrbf, bd, gam, bet)


def kernel(X, mask, R_idx, chain_labels, pos_W, pos_b, edge_W, ln_gamma,
           ln_beta):
    batch, ll = X.shape[0], X.shape[1]
    n_res = batch * ll
    n_edges = n_res * TOP_K

    n_at = X[:, :, 0, :]
    ca = X[:, :, 1, :]
    c_at = X[:, :, 2, :]
    o_at = X[:, :, 3, :]
    bvec = ca - n_at
    cvec = c_at - ca
    avec = jnp.cross(bvec, cvec)
    cb = -0.58273431 * avec + 0.56802827 * bvec - 0.54067466 * cvec + ca
    tbl = jnp.concatenate([n_at, ca, c_at, o_at, cb,
                           jnp.zeros_like(ca[..., :1])], axis=-1)
    tbl = tbl.reshape(n_res, 16)
    cat = jnp.transpose(ca, (0, 2, 1))

    eidx_flat2, gidx, dpos = _topk_call(tbl, cat, batch, ll)

    per_chunk = 128
    chunks = n_edges // (32 * per_chunk)
    idx3 = gidx.reshape(32, chunks, per_chunk)
    g = _sc_gather(tbl, idx3, n_edges, chunks, per_chunk)

    rq2 = 64
    rep = jnp.asarray(
        np.repeat(np.eye(rq2, dtype=np.float32), TOP_K, axis=0))
    w_pos16 = edge_W[:, :NUM_POS]
    wd = jnp.transpose(w_pos16 @ pos_W)
    bd = (w_pos16 @ pos_b).reshape(1, 128)
    io66 = jnp.arange(66, dtype=jnp.float32).reshape(1, 66)
    e_out = _feat_call(
        tbl, g, dpos.reshape(n_edges, 1), rep,
        jnp.asarray(_MA_NP), jnp.asarray(_MB_NP), jnp.asarray(_S_NP),
        jnp.asarray(_EXP_NP), jnp.asarray(_MU_NP), io66, wd,
        jnp.transpose(edge_W[:, NUM_POS:]), bd,
        ln_gamma.reshape(1, 128), ln_beta.reshape(1, 128),
        n_res, rq2=rq2)

    e_full = e_out.reshape(batch, ll, TOP_K, 128)
    e_idx = eidx_flat2.reshape(batch, ll, TOP_K)
    return e_full, e_idx

# --- scband reference (transcript-rebuilt; emitter-appended) ---
"""Pipeline reference for scband-protein-features-5781025980978 (READ-ONLY COPY).

The authoritative reference and input builder live on the scoring server;
editing this copy changes nothing except your own understanding.
"""

import jax, jax.numpy as jnp
import numpy as np

TOP_K = 48
NUM_RBF = 16
MAX_REL = 32
EDGE_FEATURES = 128
NUM_POS = 16
EDGE_IN = NUM_POS + NUM_RBF * 25


def gather_edges(edges, neighbor_idx):
    idx = jnp.broadcast_to(neighbor_idx[..., None], neighbor_idx.shape + (edges.shape[-1],))
    return jnp.take_along_axis(edges, idx, axis=2)


def _rbf(D):
    D_mu = jnp.linspace(2.0, 22.0, NUM_RBF).reshape(1, 1, 1, -1)
    D_sigma = (22.0 - 2.0) / NUM_RBF
    return jnp.exp(-(((D[..., None] - D_mu) / D_sigma) ** 2))


def _dist(Ca, mask, eps=1e-6):
    mask_2D = mask[:, None, :] * mask[:, :, None]
    dX = Ca[:, None, :, :] - Ca[:, :, None, :]
    D = mask_2D * jnp.sqrt(jnp.sum(dX ** 2, 3) + eps)
    D_max = jnp.max(D, -1, keepdims=True)
    D_adjust = D + (1.0 - mask_2D) * D_max
    k = min(TOP_K, Ca.shape[1])
    neg_vals, E_idx = jax.lax.top_k(-D_adjust, k)
    return -neg_vals, E_idx


def _get_rbf(A, B, E_idx):
    D_A_B = jnp.sqrt(jnp.sum((A[:, :, None, :] - B[:, None, :, :]) ** 2, -1) + 1e-6)
    Dn = gather_edges(D_A_B[..., None], E_idx)[..., 0]
    return _rbf(Dn)


def _forward(X, mask, R_idx, chain_labels, pos_W, pos_b, edge_W, ln_gamma, ln_beta):
    b = X[:, :, 1, :] - X[:, :, 0, :]
    c = X[:, :, 2, :] - X[:, :, 1, :]
    a = jnp.cross(b, c)
    Cb = -0.58273431 * a + 0.56802827 * b - 0.54067466 * c + X[:, :, 1, :]
    Ca = X[:, :, 1, :]
    N = X[:, :, 0, :]
    C = X[:, :, 2, :]
    O = X[:, :, 3, :]
    D_neighbors, E_idx = _dist(Ca, mask)
    pairs = [(N, N), (C, C), (O, O), (Cb, Cb), (Ca, N), (Ca, C), (Ca, O), (Ca, Cb), (N, C), (N, O), (N, Cb), (Cb, C), (Cb, O), (O, C), (N, Ca), (C, Ca), (O, Ca), (Cb, Ca), (C, N), (O, N), (Cb, N), (C, Cb), (O, Cb), (C, O)]
    RBF_all = [_rbf(D_neighbors)]
    for A_, B_ in pairs:
        RBF_all.append(_get_rbf(A_, B_, E_idx))
    RBF_all = jnp.concatenate(RBF_all, axis=-1)
    offset = R_idx[:, :, None] - R_idx[:, None, :]
    offset = gather_edges(offset[..., None], E_idx)[..., 0]
    d_chains = (chain_labels[:, :, None] - chain_labels[:, None, :] == 0).astype(jnp.int32)
    E_chains = gather_edges(d_chains[..., None], E_idx)[..., 0]
    d = jnp.clip(offset + MAX_REL, 0, 2 * MAX_REL) * E_chains + (1 - E_chains) * (2 * MAX_REL + 1)
    d_onehot = jax.nn.one_hot(d, 2 * MAX_REL + 2, dtype=jnp.float32)
    E_positional = d_onehot @ pos_W.T + pos_b
    E = jnp.concatenate((E_positional, RBF_all), axis=-1)
    E = E @ edge_W.T
    mu = jnp.mean(E, axis=-1, keepdims=True)
    var = jnp.mean((E - mu) ** 2, axis=-1, keepdims=True)
    E = (E - mu) / jnp.sqrt(var + 1e-5) * ln_gamma + ln_beta
    return E, E_idx


def setup_inputs(seed: int = 0):
    key = jax.random.key(seed)
    ks = jax.random.split(key, 6)
    B, L = 2, 1024
    X = jax.random.normal(ks[0], (B, L, 4, 3), dtype=jnp.float32)
    mask = jnp.ones((B, L), dtype=jnp.float32)
    R_idx = jnp.arange(B * L, dtype=jnp.int32).reshape(B, L)
    chain_labels = jnp.zeros((B, L), dtype=jnp.int32)
    pos_W = jax.random.normal(ks[1], (NUM_POS, 2 * MAX_REL + 2), dtype=jnp.float32) * 0.1
    pos_b = jnp.zeros((NUM_POS,), dtype=jnp.float32)
    edge_W = jax.random.normal(ks[2], (EDGE_FEATURES, EDGE_IN), dtype=jnp.float32) * 0.05
    ln_gamma = jnp.ones((EDGE_FEATURES,), dtype=jnp.float32)
    ln_beta = jnp.zeros((EDGE_FEATURES,), dtype=jnp.float32)
    return {"X": X, "mask": mask, "R_idx": R_idx, "chain_labels": chain_labels, "pos_W": pos_W, "pos_b": pos_b, "edge_W": edge_W, "ln_gamma": ln_gamma, "ln_beta": ln_beta}


def reference(X, mask, R_idx, chain_labels, pos_W, pos_b, edge_W, ln_gamma, ln_beta):
    return _forward(X, mask, R_idx, chain_labels, pos_W, pos_b, edge_W, ln_gamma, ln_beta)

if __name__ == "__main__":
    import jax
    _d = setup_inputs()
    print(jax.jit(kernel)(*tuple(_d.values())))

</pallas_src>

<mosaic_0001>
#map = affine_map<(d0, d1) -> (0, 0)>
#map1 = affine_map<(d0, d1) -> (0, 0, 0)>
module attributes {stable_mosaic.version = 14 : i64} {
  func.func @k(%arg0: i32, %arg1: i32, %arg2: memref<2048x16xf32, #tpu.memory_space<hbm>>, %arg3: memref<32x24x128xi32, #tpu.memory_space<hbm>>, %arg4: memref<98304x16xf32, #tpu.memory_space<hbm>>, %arg5: memref<24x128xi32, #tpu.memory_space<vmem>>, %arg6: memref<3072x16xf32, #tpu.memory_space<vmem>>, %arg7: memref<!tpu.dma_semaphore, #tpu.memory_space<semaphore_mem>>) attributes {dimension_semantics = [#tpu.dimension_semantics<core_parallel>, #tpu.dimension_semantics<subcore_parallel>], iteration_bounds = array<i64: 2, 16>, scalar_prefetch = 0 : i64, scratch_operands = 3 : i64, tpu.core_type = #tpu.core_type<sc_vector_subcore>, window_params = [{transform_indices = #map}, {transform_indices = #map1}, {transform_indices = #map}]} {
    %mul3A = arith.constant 2 : i32
    %mul3A_0 = arith.muli %arg1, %mul3A : i32
    %add3A = arith.addi %mul3A_0, %arg0 : i32
    "tpu.region"() ({
      %run_scoped3A = tpu.sem_alloc : memref<!tpu.dma_semaphore, #tpu.memory_space<semaphore_mem>>
      %dma_start3A_481 = arith.constant 0 : i32
      %dma_start3A_482 = arith.constant 0 : i32
      %dma_start3A_483 = tpu.memref_slice %arg3[%add3A, %dma_start3A_481, %dma_start3A_482] : memref<32x24x128xi32, #tpu.memory_space<hbm>> -> memref<1x24x128xi32, #tpu.memory_space<hbm>>
      %dma_start3A_484 = tpu.memref_squeeze %dma_start3A_483 : memref<1x24x128xi32, #tpu.memory_space<hbm>> -> memref<24x128xi32, #tpu.memory_space<hbm>>
      %dma_start3A_485 = arith.constant 0 : i32
      %dma_start3A_486 = arith.constant 0 : i32
      %dma_start3A_487 = tpu.memref_slice %arg3[%add3A, %dma_start3A_485, %dma_start3A_486] : memref<32x24x128xi32, #tpu.memory_space<hbm>> -> memref<1x24x128xi32, #tpu.memory_space<hbm>>
      %dma_start3A_488 = tpu.memref_squeeze %dma_start3A_487 : memref<1x24x128xi32, #tpu.memory_space<hbm>> -> memref<24x128xi32, #tpu.memory_space<hbm>>
      tpu.enqueue_dma source(%dma_start3A_488 : memref<24x128xi32, #tpu.memory_space<hbm>>) target(%arg5 : memref<24x128xi32, #tpu.memory_space<vmem>>) target_semaphore(%run_scoped3A : memref<!tpu.dma_semaphore, #tpu.memory_space<semaphore_mem>>)
      %dma_wait3A_489 = arith.constant 0 : i32
      %dma_wait3A_490 = arith.constant 0 : i32
      %dma_wait3A_491 = tpu.memref_slice %arg3[%add3A, %dma_wait3A_489, %dma_wait3A_490] : memref<32x24x128xi32, #tpu.memory_space<hbm>> -> memref<1x24x128xi32, #tpu.memory_space<hbm>>
      %dma_wait3A_492 = tpu.memref_squeeze %dma_wait3A_491 : memref<1x24x128xi32, #tpu.memory_space<hbm>> -> memref<24x128xi32, #tpu.memory_space<hbm>>
      %dma_wait3A_493 = arith.constant 0 : i32
      %dma_wait3A_494 = arith.constant 0 : i32
      %dma_wait3A_495 = tpu.memref_slice %arg3[%add3A, %dma_wait3A_493, %dma_wait3A_494] : memref<32x24x128xi32, #tpu.memory_space<hbm>> -> memref<1x24x128xi32, #tpu.memory_space<hbm>>
      %dma_wait3A_496 = tpu.memref_squeeze %dma_wait3A_495 : memref<1x24x128xi32, #tpu.memory_space<hbm>> -> memref<24x128xi32, #tpu.memory_space<hbm>>
      tpu.wait_dma2 semaphore(%run_scoped3A : memref<!tpu.dma_semaphore, #tpu.memory_space<semaphore_mem>>) src(%dma_wait3A_496 : memref<24x128xi32, #tpu.memory_space<hbm>>) dst(%arg5 : memref<24x128xi32, #tpu.memory_space<vmem>>)
      tpu.yield
    }) : () -> ()
    %dma_start3A = arith.constant 0 : i32
    %dma_start3A_1 = arith.constant 0 : i32
    %dma_start3A_2 = arith.constant 0 : i32
    %dma_start3A_3 = tpu.memref_slice %arg6[%dma_start3A_1, %dma_start3A_2] : memref<3072x16xf32, #tpu.memory_space<vmem>> -> memref<128x16xf32, #tpu.memory_space<vmem>>
    %dma_start3A_4 = arith.constant 0 : i32
    %dma_start3A_5 = tpu.memref_slice %arg5[%dma_start3A, %dma_start3A_4] : memref<24x128xi32, #tpu.memory_space<vmem>> -> memref<1x128xi32, #tpu.memory_space<vmem>>
    %dma_start3A_6 = tpu.memref_squeeze %dma_start3A_5 : memref<1x128xi32, #tpu.memory_space<vmem>> -> memref<128xi32, #tpu.memory_space<vmem>>
    %dma_start3A_7 = arith.constant 0 : i32
    %dma_start3A_8 = arith.constant 0 : i32
    %dma_start3A_9 = tpu.memref_slice %arg2[%dma_start3A_7, %dma_start3A_8] : memref<2048x16xf32, #tpu.memory_space<hbm>> -> memref<2048x16xf32, #tpu.memory_space<hbm>>
    tpu.enqueue_indirect_dma source(%dma_start3A_9 : memref<2048x16xf32, #tpu.memory_space<hbm>>) target(%dma_start3A_3 : memref<128x16xf32, #tpu.memory_space<vmem>>) offsets(%dma_start3A_6 : memref<128xi32, #tpu.memory_space<vmem>>) semaphore(%arg7 : memref<!tpu.dma_semaphore, #tpu.memory_space<semaphore_mem>>)
    %dma_start3A_10 = arith.constant 1 : i32
    %dma_start3A_11 = arith.constant 128 : i32
    %dma_start3A_12 = arith.constant 0 : i32
    %dma_start3A_13 = tpu.memref_slice %arg6[%dma_start3A_11, %dma_start3A_12] : memref<3072x16xf32, #tpu.memory_space<vmem>> -> memref<128x16xf32, #tpu.memory_space<vmem>>
    %dma_start3A_14 = arith.constant 0 : i32
    %dma_start3A_15 = tpu.memref_slice %arg5[%dma_start3A_10, %dma_start3A_14] : memref<24x128xi32, #tpu.memory_space<vmem>> -> memref<1x128xi32, #tpu.memory_space<vmem>>
    %dma_start3A_16 = tpu.memref_squeeze %dma_start3A_15 : memref<1x128xi32, #tpu.memory_space<vmem>> -> memref<128xi32, #tpu.memory_space<vmem>>
    %dma_start3A_17 = arith.constant 0 : i32
    %dma_start3A_18 = arith.constant 0 : i32
    %dma_start3A_19 = tpu.memref_slice %arg2[%dma_start3A_17, %dma_start3A_18] : memref<2048x16xf32, #tpu.memory_space<hbm>> -> memref<2048x16xf32, #tpu.memory_space<hbm>>
    tpu.enqueue_indirect_dma source(%dma_start3A_19 : memref<2048x16xf32, #tpu.memory_space<hbm>>) target(%dma_start3A_13 : memref<128x16xf32, #tpu.memory_space<vmem>>) offsets(%dma_start3A_16 : memref<128xi32, #tpu.memory_space<vmem>>) semaphore(%arg7 : memref<!tpu.dma_semaphore, #tpu.memory_space<semaphore_mem>>)
    %dma_start3A_20 = arith.constant 2 : i32
    %dma_start3A_21 = arith.constant 256 : i32
    %dma_start3A_22 = arith.constant 0 : i32
    %dma_start3A_23 = tpu.memref_slice %arg6[%dma_start3A_21, %dma_start3A_22] : memref<3072x16xf32, #tpu.memory_space<vmem>> -> memref<128x16xf32, #tpu.memory_space<vmem>>
    %dma_start3A_24 = arith.constant 0 : i32
    %dma_start3A_25 = tpu.memref_slice %arg5[%dma_start3A_20, %dma_start3A_24] : memref<24x128xi32, #tpu.memory_space<vmem>> -> memref<1x128xi32, #tpu.memory_space<vmem>>
    %dma_start3A_26 = tpu.memref_squeeze %dma_start3A_25 : memref<1x128xi32, #tpu.memory_space<vmem>> -> memref<128xi32, #tpu.memory_space<vmem>>
    %dma_start3A_27 = arith.constant 0 : i32
    %dma_start3A_28 = arith.constant 0 : i32
    %dma_start3A_29 = tpu.memref_slice %arg2[%dma_start3A_27, %dma_start3A_28] : memref<2048x16xf32, #tpu.memory_space<hbm>> -> memref<2048x16xf32, #tpu.memory_space<hbm>>
    tpu.enqueue_indirect_dma source(%dma_start3A_29 : memref<2048x16xf32, #tpu.memory_space<hbm>>) target(%dma_start3A_23 : memref<128x16xf32, #tpu.memory_space<vmem>>) offsets(%dma_start3A_26 : memref<128xi32, #tpu.memory_space<vmem>>) semaphore(%arg7 : memref<!tpu.dma_semaphore, #tpu.memory_space<semaphore_mem>>)
    %dma_start3A_30 = arith.constant 3 : i32
    %dma_start3A_31 = arith.constant 384 : i32
    %dma_start3A_32 = arith.constant 0 : i32
    %dma_start3A_33 = tpu.memref_slice %arg6[%dma_start3A_31, %dma_start3A_32] : memref<3072x16xf32, #tpu.memory_space<vmem>> -> memref<128x16xf32, #tpu.memory_space<vmem>>
    %dma_start3A_34 = arith.constant 0 : i32
    %dma_start3A_35 = tpu.memref_slice %arg5[%dma_start3A_30, %dma_start3A_34] : memref<24x128xi32, #tpu.memory_space<vmem>> -> memref<1x128xi32, #tpu.memory_space<vmem>>
    %dma_start3A_36 = tpu.memref_squeeze %dma_start3A_35 : memref<1x128xi32, #tpu.memory_space<vmem>> -> memref<128xi32, #tpu.memory_space<vmem>>
    %dma_start3A_37 = arith.constant 0 : i32
    %dma_start3A_38 = arith.constant 0 : i32
    %dma_start3A_39 = tpu.memref_slice %arg2[%dma_start3A_37, %dma_start3A_38] : memref<2048x16xf32, #tpu.memory_space<hbm>> -> memref<2048x16xf32, #tpu.memory_space<hbm>>
    tpu.enqueue_indirect_dma source(%dma_start3A_39 : memref<2048x16xf32, #tpu.memory_space<hbm>>) target(%dma_start3A_33 : memref<128x16xf32, #tpu.memory_space<vmem>>) offsets(%dma_start3A_36 : memref<128xi32, #tpu.memory_space<vmem>>) semaphore(%arg7 : memref<!tpu.dma_semaphore, #tpu.memory_space<semaphore_mem>>)
    %dma_start3A_40 = arith.constant 4 : i32
    %dma_start3A_41 = arith.constant 512 : i32
    %dma_start3A_42 = arith.constant 0 : i32
    %dma_start3A_43 = tpu.memref_slice %arg6[%dma_start3A_41, %dma_start3A_42] : memref<3072x16xf32, #tpu.memory_space<vmem>> -> memref<128x16xf32, #tpu.memory_space<vmem>>
    %dma_start3A_44 = arith.constant 0 : i32
    %dma_start3A_45 = tpu.memref_slice %arg5[%dma_start3A_40, %dma_start3A_44] : memref<24x128xi32, #tpu.memory_space<vmem>> -> memref<1x128xi32, #tpu.memory_space<vmem>>
    %dma_start3A_46 = tpu.memref_squeeze %dma_start3A_45 : memref<1x128xi32, #tpu.memory_space<vmem>> -> memref<128xi32, #tpu.memory_space<vmem>>
    %dma_start3A_47 = arith.constant 0 : i32
    %dma_start3A_48 = arith.constant 0 : i32
    %dma_start3A_49 = tpu.memref_slice %arg2[%dma_start3A_47, %dma_start3A_48] : memref<2048x16xf32, #tpu.memory_space<hbm>> -> memref<2048x16xf32, #tpu.memory_space<hbm>>
    tpu.enqueue_indirect_dma source(%dma_start3A_49 : memref<2048x16xf32, #tpu.memory_space<hbm>>) target(%dma_start3A_43 : memref<128x16xf32, #tpu.memory_space<vmem>>) offsets(%dma_start3A_46 : memref<128xi32, #tpu.memory_space<vmem>>) semaphore(%arg7 : memref<!tpu.dma_semaphore, #tpu.memory_space<semaphore_mem>>)
    %dma_start3A_50 = arith.constant 5 : i32
    %dma_start3A_51 = arith.constant 640 : i32
    %dma_start3A_52 = arith.constant 0 : i32
    %dma_start3A_53 = tpu.memref_slice %arg6[%dma_start3A_51, %dma_start3A_52] : memref<3072x16xf32, #tpu.memory_space<vmem>> -> memref<128x16xf32, #tpu.memory_space<vmem>>
    %dma_start3A_54 = arith.constant 0 : i32
    %dma_start3A_55 = tpu.memref_slice %arg5[%dma_start3A_50, %dma_start3A_54] : memref<24x128xi32, #tpu.memory_space<vmem>> -> memref<1x128xi32, #tpu.memory_space<vmem>>
    %dma_start3A_56 = tpu.memref_squeeze %dma_start3A_55 : memref<1x128xi32, #tpu.memory_space<vmem>> -> memref<128xi32, #tpu.memory_space<vmem>>
    %dma_start3A_57 = arith.constant 0 : i32
    %dma_start3A_58 = arith.constant 0 : i32
    %dma_start3A_59 = tpu.memref_slice %arg2[%dma_start3A_57, %dma_start3A_58] : memref<2048x16xf32, #tpu.memory_space<hbm>> -> memref<2048x16xf32, #tpu.memory_space<hbm>>
    tpu.enqueue_indirect_dma source(%dma_start3A_59 : memref<2048x16xf32, #tpu.memory_space<hbm>>) target(%dma_start3A_53 : memref<128x16xf32, #tpu.memory_space<vmem>>) offsets(%dma_start3A_56 : memref<128xi32, #tpu.memory_space<vmem>>) semaphore(%arg7 : memref<!tpu.dma_semaphore, #tpu.memory_space<semaphore_mem>>)
    %dma_start3A_60 = arith.constant 6 : i32
    %dma_start3A_61 = arith.constant 768 : i32
    %dma_start3A_62 = arith.constant 0 : i32
    %dma_start3A_63 = tpu.memref_slice %arg6[%dma_start3A_61, %dma_start3A_62] : memref<3072x16xf32, #tpu.memory_space<vmem>> -> memref<128x16xf32, #tpu.memory_space<vmem>>
    %dma_start3A_64 = arith.constant 0 : i32
    %dma_start3A_65 = tpu.memref_slice %arg5[%dma_start3A_60, %dma_start3A_64] : memref<24x128xi32, #tpu.memory_space<vmem>> -> memref<1x128xi32, #tpu.memory_space<vmem>>
    %dma_start3A_66 = tpu.memref_squeeze %dma_start3A_65 : memref<1x128xi32, #tpu.memory_space<vmem>> -> memref<128xi32, #tpu.memory_space<vmem>>
    %dma_start3A_67 = arith.constant 0 : i32
    %dma_start3A_68 = arith.constant 0 : i32
    %dma_start3A_69 = tpu.memref_slice %arg2[%dma_start3A_67, %dma_start3A_68] : memref<2048x16xf32, #tpu.memory_space<hbm>> -> memref<2048x16xf32, #tpu.memory_space<hbm>>
    tpu.enqueue_indirect_dma source(%dma_start3A_69 : memref<2048x16xf32, #tpu.memory_space<hbm>>) target(%dma_start3A_63 : memref<128x16xf32, #tpu.memory_space<vmem>>) offsets(%dma_start3A_66 : memref<128xi32, #tpu.memory_space<vmem>>) semaphore(%arg7 : memref<!tpu.dma_semaphore, #tpu.memory_space<semaphore_mem>>)
    %dma_start3A_70 = arith.constant 7 : i32
    %dma_start3A_71 = arith.constant 896 : i32
    %dma_start3A_72 = arith.constant 0 : i32
    %dma_start3A_73 = tpu.memref_slice %arg6[%dma_start3A_71, %dma_start3A_72] : memref<3072x16xf32, #tpu.memory_space<vmem>> -> memref<128x16xf32, #tpu.memory_space<vmem>>
    %dma_start3A_74 = arith.constant 0 : i32
    %dma_start3A_75 = tpu.memref_slice %arg5[%dma_start3A_70, %dma_start3A_74] : memref<24x128xi32, #tpu.memory_space<vmem>> -> memref<1x128xi32, #tpu.memory_space<vmem>>
    %dma_start3A_76 = tpu.memref_squeeze %dma_start3A_75 : memref<1x128xi32, #tpu.memory_space<vmem>> -> memref<128xi32, #tpu.memory_space<vmem>>
    %dma_start3A_77 = arith.constant 0 : i32
    %dma_start3A_78 = arith.constant 0 : i32
    %dma_start3A_79 = tpu.memref_slice %arg2[%dma_start3A_77, %dma_start3A_78] : memref<2048x16xf32, #tpu.memory_space<hbm>> -> memref<2048x16xf32, #tpu.memory_space<hbm>>
    tpu.enqueue_indirect_dma source(%dma_start3A_79 : memref<2048x16xf32, #tpu.memory_space<hbm>>) target(%dma_start3A_73 : memref<128x16xf32, #tpu.memory_space<vmem>>) offsets(%dma_start3A_76 : memref<128xi32, #tpu.memory_space<vmem>>) semaphore(%arg7 : memref<!tpu.dma_semaphore, #tpu.memory_space<semaphore_mem>>)
    %dma_start3A_80 = arith.constant 8 : i32
    %dma_start3A_81 = arith.constant 1024 : i32
    %dma_start3A_82 = arith.constant 0 : i32
    %dma_start3A_83 = tpu.memref_slice %arg6[%dma_start3A_81, %dma_start3A_82] : memref<3072x16xf32, #tpu.memory_space<vmem>> -> memref<128x16xf32, #tpu.memory_space<vmem>>
    %dma_start3A_84 = arith.constant 0 : i32
    %dma_start3A_85 = tpu.memref_slice %arg5[%dma_start3A_80, %dma_start3A_84] : memref<24x128xi32, #tpu.memory_space<vmem>> -> memref<1x128xi32, #tpu.memory_space<vmem>>
    %dma_start3A_86 = tpu.memref_squeeze %dma_start3A_85 : memref<1x128xi32, #tpu.memory_space<vmem>> -> memref<128xi32, #tpu.memory_space<vmem>>
    %dma_start3A_87 = arith.constant 0 : i32
    %dma_start3A_88 = arith.constant 0 : i32
    %dma_start3A_89 = tpu.memref_slice %arg2[%dma_start3A_87, %dma_start3A_88] : memref<2048x16xf32, #tpu.memory_space<hbm>> -> memref<2048x16xf32, #tpu.memory_space<hbm>>
    tpu.enqueue_indirect_dma source(%dma_start3A_89 : memref<2048x16xf32, #tpu.memory_space<hbm>>) target(%dma_start3A_83 : memref<128x16xf32, #tpu.memory_space<vmem>>) offsets(%dma_start3A_86 : memref<128xi32, #tpu.memory_space<vmem>>) semaphore(%arg7 : memref<!tpu.dma_semaphore, #tpu.memory_space<semaphore_mem>>)
    %dma_start3A_90 = arith.constant 9 : i32
    %dma_start3A_91 = arith.constant 1152 : i32
    %dma_start3A_92 = arith.constant 0 : i32
    %dma_start3A_93 = tpu.memref_slice %arg6[%dma_start3A_91, %dma_start3A_92] : memref<3072x16xf32, #tpu.memory_space<vmem>> -> memref<128x16xf32, #tpu.memory_space<vmem>>
    %dma_start3A_94 = arith.constant 0 : i32
    %dma_start3A_95 = tpu.memref_slice %arg5[%dma_start3A_90, %dma_start3A_94] : memref<24x128xi32, #tpu.memory_space<vmem>> -> memref<1x128xi32, #tpu.memory_space<vmem>>
    %dma_start3A_96 = tpu.memref_squeeze %dma_start3A_95 : memref<1x128xi32, #tpu.memory_space<vmem>> -> memref<128xi32, #tpu.memory_space<vmem>>
    %dma_start3A_97 = arith.constant 0 : i32
    %dma_start3A_98 = arith.constant 0 : i32
    %dma_start3A_99 = tpu.memref_slice %arg2[%dma_start3A_97, %dma_start3A_98] : memref<2048x16xf32, #tpu.memory_space<hbm>> -> memref<2048x16xf32, #tpu.memory_space<hbm>>
    tpu.enqueue_indirect_dma source(%dma_start3A_99 : memref<2048x16xf32, #tpu.memory_space<hbm>>) target(%dma_start3A_93 : memref<128x16xf32, #tpu.memory_space<vmem>>) offsets(%dma_start3A_96 : memref<128xi32, #tpu.memory_space<vmem>>) semaphore(%arg7 : memref<!tpu.dma_semaphore, #tpu.memory_space<semaphore_mem>>)
    %dma_start3A_100 = arith.constant 10 : i32
    %dma_start3A_101 = arith.constant 1280 : i32
    %dma_start3A_102 = arith.constant 0 : i32
    %dma_start3A_103 = tpu.memref_slice %arg6[%dma_start3A_101, %dma_start3A_102] : memref<3072x16xf32, #tpu.memory_space<vmem>> -> memref<128x16xf32, #tpu.memory_space<vmem>>
    %dma_start3A_104 = arith.constant 0 : i32
    %dma_start3A_105 = tpu.memref_slice %arg5[%dma_start3A_100, %dma_start3A_104] : memref<24x128xi32, #tpu.memory_space<vmem>> -> memref<1x128xi32, #tpu.memory_space<vmem>>
    %dma_start3A_106 = tpu.memref_squeeze %dma_start3A_105 : memref<1x128xi32, #tpu.memory_space<vmem>> -> memref<128xi32, #tpu.memory_space<vmem>>
    %dma_start3A_107 = arith.constant 0 : i32
    %dma_start3A_108 = arith.constant 0 : i32
    %dma_start3A_109 = tpu.memref_slice %arg2[%dma_start3A_107, %dma_start3A_108] : memref<2048x16xf32, #tpu.memory_space<hbm>> -> memref<2048x16xf32, #tpu.memory_space<hbm>>
    tpu.enqueue_indirect_dma source(%dma_start3A_109 : memref<2048x16xf32, #tpu.memory_space<hbm>>) target(%dma_start3A_103 : memref<128x16xf32, #tpu.memory_space<vmem>>) offsets(%dma_start3A_106 : memref<128xi32, #tpu.memory_space<vmem>>) semaphore(%arg7 : memref<!tpu.dma_semaphore, #tpu.memory_space<semaphore_mem>>)
    %dma_start3A_110 = arith.constant 11 : i32
    %dma_start3A_111 = arith.constant 1408 : i32
    %dma_start3A_112 = arith.constant 0 : i32
    %dma_start3A_113 = tpu.memref_slice %arg6[%dma_start3A_111, %dma_start3A_112] : memref<3072x16xf32, #tpu.memory_space<vmem>> -> memref<128x16xf32, #tpu.memory_space<vmem>>
    %dma_start3A_114 = arith.constant 0 : i32
    %dma_start3A_115 = tpu.memref_slice %arg5[%dma_start3A_110, %dma_start3A_114] : memref<24x128xi32, #tpu.memory_space<vmem>> -> memref<1x128xi32, #tpu.memory_space<vmem>>
    %dma_start3A_116 = tpu.memref_squeeze %dma_start3A_115 : memref<1x128xi32, #tpu.memory_space<vmem>> -> memref<128xi32, #tpu.memory_space<vmem>>
    %dma_start3A_117 = arith.constant 0 : i32
    %dma_start3A_118 = arith.constant 0 : i32
    %dma_start3A_119 = tpu.memref_slice %arg2[%dma_start3A_117, %dma_start3A_118] : memref<2048x16xf32, #tpu.memory_space<hbm>> -> memref<2048x16xf32, #tpu.memory_space<hbm>>
    tpu.enqueue_indirect_dma source(%dma_start3A_119 : memref<2048x16xf32, #tpu.memory_space<hbm>>) target(%dma_start3A_113 : memref<128x16xf32, #tpu.memory_space<vmem>>) offsets(%dma_start3A_116 : memref<128xi32, #tpu.memory_space<vmem>>) semaphore(%arg7 : memref<!tpu.dma_semaphore, #tpu.memory_space<semaphore_mem>>)
    %dma_start3A_120 = arith.constant 12 : i32
    %dma_start3A_121 = arith.constant 1536 : i32
    %dma_start3A_122 = arith.constant 0 : i32
    %dma_start3A_123 = tpu.memref_slice %arg6[%dma_start3A_121, %dma_start3A_122] : memref<3072x16xf32, #tpu.memory_space<vmem>> -> memref<128x16xf32, #tpu.memory_space<vmem>>
    %dma_start3A_124 = arith.constant 0 : i32
    %dma_start3A_125 = tpu.memref_slice %arg5[%dma_start3A_120, %dma_start3A_124] : memref<24x128xi32, #tpu.memory_space<vmem>> -> memref<1x128xi32, #tpu.memory_space<vmem>>
    %dma_start3A_126 = tpu.memref_squeeze %dma_start3A_125 : memref<1x128xi32, #tpu.memory_space<vmem>> -> memref<128xi32, #tpu.memory_space<vmem>>
    %dma_start3A_127 = arith.constant 0 : i32
    %dma_start3A_128 = arith.constant 0 : i32
    %dma_start3A_129 = tpu.memref_slice %arg2[%dma_start3A_127, %dma_start3A_128] : memref<2048x16xf32, #tpu.memory_space<hbm>> -> memref<2048x16xf32, #tpu.memory_space<hbm>>
    tpu.enqueue_indirect_dma source(%dma_start3A_129 : memref<2048x16xf32, #tpu.memory_space<hbm>>) target(%dma_start3A_123 : memref<128x16xf32, #tpu.memory_space<vmem>>) offsets(%dma_start3A_126 : memref<128xi32, #tpu.memory_space<vmem>>) semaphore(%arg7 : memref<!tpu.dma_semaphore, #tpu.memory_space<semaphore_mem>>)
    %dma_start3A_130 = arith.constant 13 : i32
    %dma_start3A_131 = arith.constant 1664 : i32
    %dma_start3A_132 = arith.constant 0 : i32
    %dma_start3A_133 = tpu.memref_slice %arg6[%dma_start3A_131, %dma_start3A_132] : memref<3072x16xf32, #tpu.memory_space<vmem>> -> memref<128x16xf32, #tpu.memory_space<vmem>>
    %dma_start3A_134 = arith.constant 0 : i32
    %dma_start3A_135 = tpu.memref_slice %arg5[%dma_start3A_130, %dma_start3A_134] : memref<24x128xi32, #tpu.memory_space<vmem>> -> memref<1x128xi32, #tpu.memory_space<vmem>>
    %dma_start3A_136 = tpu.memref_squeeze %dma_start3A_135 : memref<1x128xi32, #tpu.memory_space<vmem>> -> memref<128xi32, #tpu.memory_space<vmem>>
    %dma_start3A_137 = arith.constant 0 : i32
    %dma_start3A_138 = arith.constant 0 : i32
    %dma_start3A_139 = tpu.memref_slice %arg2[%dma_start3A_137, %dma_start3A_138] : memref<2048x16xf32, #tpu.memory_space<hbm>> -> memref<2048x16xf32, #tpu.memory_space<hbm>>
    tpu.enqueue_indirect_dma source(%dma_start3A_139 : memref<2048x16xf32, #tpu.memory_space<hbm>>) target(%dma_start3A_133 : memref<128x16xf32, #tpu.memory_space<vmem>>) offsets(%dma_start3A_136 : memref<128xi32, #tpu.memory_space<vmem>>) semaphore(%arg7 : memref<!tpu.dma_semaphore, #tpu.memory_space<semaphore_mem>>)
    %dma_start3A_140 = arith.constant 14 : i32
    %dma_start3A_141 = arith.constant 1792 : i32
    %dma_start3A_142 = arith.constant 0 : i32
    %dma_start3A_143 = tpu.memref_slice %arg6[%dma_start3A_141, %dma_start3A_142] : memref<3072x16xf32, #tpu.memory_space<vmem>> -> memref<128x16xf32, #tpu.memory_space<vmem>>
    %dma_start3A_144 = arith.constant 0 : i32
    %dma_start3A_145 = tpu.memref_slice %arg5[%dma_start3A_140, %dma_start3A_144] : memref<24x128xi32, #tpu.memory_space<vmem>> -> memref<1x128xi32, #tpu.memory_space<vmem>>
    %dma_start3A_146 = tpu.memref_squeeze %dma_start3A_145 : memref<1x128xi32, #tpu.memory_space<vmem>> -> memref<128xi32, #tpu.memory_space<vmem>>
    %dma_start3A_147 = arith.constant 0 : i32
    %dma_start3A_148 = arith.constant 0 : i32
    %dma_start3A_149 = tpu.memref_slice %arg2[%dma_start3A_147, %dma_start3A_148] : memref<2048x16xf32, #tpu.memory_space<hbm>> -> memref<2048x16xf32, #tpu.memory_space<hbm>>
    tpu.enqueue_indirect_dma source(%dma_start3A_149 : memref<2048x16xf32, #tpu.memory_space<hbm>>) target(%dma_start3A_143 : memref<128x16xf32, #tpu.memory_space<vmem>>) offsets(%dma_start3A_146 : memref<128xi32, #tpu.memory_space<vmem>>) semaphore(%arg7 : memref<!tpu.dma_semaphore, #tpu.memory_space<semaphore_mem>>)
    %dma_start3A_150 = arith.constant 15 : i32
    %dma_start3A_151 = arith.constant 1920 : i32
    %dma_start3A_152 = arith.constant 0 : i32
    %dma_start3A_153 = tpu.memref_slice %arg6[%dma_start3A_151, %dma_start3A_152] : memref<3072x16xf32, #tpu.memory_space<vmem>> -> memref<128x16xf32, #tpu.memory_space<vmem>>
    %dma_start3A_154 = arith.constant 0 : i32
    %dma_start3A_155 = tpu.memref_slice %arg5[%dma_start3A_150, %dma_start3A_154] : memref<24x128xi32, #tpu.memory_space<vmem>> -> memref<1x128xi32, #tpu.memory_space<vmem>>
    %dma_start3A_156 = tpu.memref_squeeze %dma_start3A_155 : memref<1x128xi32, #tpu.memory_space<vmem>> -> memref<128xi32, #tpu.memory_space<vmem>>
    %dma_start3A_157 = arith.constant 0 : i32
    %dma_start3A_158 = arith.constant 0 : i32
    %dma_start3A_159 = tpu.memref_slice %arg2[%dma_start3A_157, %dma_start3A_158] : memref<2048x16xf32, #tpu.memory_space<hbm>> -> memref<2048x16xf32, #tpu.memory_space<hbm>>
    tpu.enqueue_indirect_dma source(%dma_start3A_159 : memref<2048x16xf32, #tpu.memory_space<hbm>>) target(%dma_start3A_153 : memref<128x16xf32, #tpu.memory_space<vmem>>) offsets(%dma_start3A_156 : memref<128xi32, #tpu.memory_space<vmem>>) semaphore(%arg7 : memref<!tpu.dma_semaphore, #tpu.memory_space<semaphore_mem>>)
    %dma_start3A_160 = arith.constant 16 : i32
    %dma_start3A_161 = arith.constant 2048 : i32
    %dma_start3A_162 = arith.constant 0 : i32
    %dma_start3A_163 = tpu.memref_slice %arg6[%dma_start3A_161, %dma_start3A_162] : memref<3072x16xf32, #tpu.memory_space<vmem>> -> memref<128x16xf32, #tpu.memory_space<vmem>>
    %dma_start3A_164 = arith.constant 0 : i32
    %dma_start3A_165 = tpu.memref_slice %arg5[%dma_start3A_160, %dma_start3A_164] : memref<24x128xi32, #tpu.memory_space<vmem>> -> memref<1x128xi32, #tpu.memory_space<vmem>>
    %dma_start3A_166 = tpu.memref_squeeze %dma_start3A_165 : memref<1x128xi32, #tpu.memory_space<vmem>> -> memref<128xi32, #tpu.memory_space<vmem>>
    %dma_start3A_167 = arith.constant 0 : i32
    %dma_start3A_168 = arith.constant 0 : i32
    %dma_start3A_169 = tpu.memref_slice %arg2[%dma_start3A_167, %dma_start3A_168] : memref<2048x16xf32, #tpu.memory_space<hbm>> -> memref<2048x16xf32, #tpu.memory_space<hbm>>
    tpu.enqueue_indirect_dma source(%dma_start3A_169 : memref<2048x16xf32, #tpu.memory_space<hbm>>) target(%dma_start3A_163 : memref<128x16xf32, #tpu.memory_space<vmem>>) offsets(%dma_start3A_166 : memref<128xi32, #tpu.memory_space<vmem>>) semaphore(%arg7 : memref<!tpu.dma_semaphore, #tpu.memory_space<semaphore_mem>>)
    %dma_start3A_170 = arith.constant 17 : i32
    %dma_start3A_171 = arith.constant 2176 : i32
    %dma_start3A_172 = arith.constant 0 : i32
    %dma_start3A_173 = tpu.memref_slice %arg6[%dma_start3A_171, %dma_start3A_172] : memref<3072x16xf32, #tpu.memory_space<vmem>> -> memref<128x16xf32, #tpu.memory_space<vmem>>
    %dma_start3A_174 = arith.constant 0 : i32
    %dma_start3A_175 = tpu.memref_slice %arg5[%dma_start3A_170, %dma_start3A_174] : memref<24x128xi32, #tpu.memory_space<vmem>> -> memref<1x128xi32, #tpu.memory_space<vmem>>
    %dma_start3A_176 = tpu.memref_squeeze %dma_start3A_175 : memref<1x128xi32, #tpu.memory_space<vmem>> -> memref<128xi32, #tpu.memory_space<vmem>>
    %dma_start3A_177 = arith.constant 0 : i32
    %dma_start3A_178 = arith.constant 0 : i32
    %dma_start3A_179 = tpu.memref_slice %arg2[%dma_start3A_177, %dma_start3A_178] : memref<2048x16xf32, #tpu.memory_space<hbm>> -> memref<2048x16xf32, #tpu.memory_space<hbm>>
    tpu.enqueue_indirect_dma source(%dma_start3A_179 : memref<2048x16xf32, #tpu.memory_space<hbm>>) target(%dma_start3A_173 : memref<128x16xf32, #tpu.memory_space<vmem>>) offsets(%dma_start3A_176 : memref<128xi32, #tpu.memory_space<vmem>>) semaphore(%arg7 : memref<!tpu.dma_semaphore, #tpu.memory_space<semaphore_mem>>)
    %dma_start3A_180 = arith.constant 18 : i32
    %dma_start3A_181 = arith.constant 2304 : i32
    %dma_start3A_182 = arith.constant 0 : i32
    %dma_start3A_183 = tpu.memref_slice %arg6[%dma_start3A_181, %dma_start3A_182] : memref<3072x16xf32, #tpu.memory_space<vmem>> -> memref<128x16xf32, #tpu.memory_space<vmem>>
    %dma_start3A_184 = arith.constant 0 : i32
    %dma_start3A_185 = tpu.memref_slice %arg5[%dma_start3A_180, %dma_start3A_184] : memref<24x128xi32, #tpu.memory_space<vmem>> -> memref<1x128xi32, #tpu.memory_space<vmem>>
    %dma_start3A_186 = tpu.memref_squeeze %dma_start3A_185 : memref<1x128xi32, #tpu.memory_space<vmem>> -> memref<128xi32, #tpu.memory_space<vmem>>
    %dma_start3A_187 = arith.constant 0 : i32
    %dma_start3A_188 = arith.constant 0 : i32
    %dma_start3A_189 = tpu.memref_slice %arg2[%dma_start3A_187, %dma_start3A_188] : memref<2048x16xf32, #tpu.memory_space<hbm>> -> memref<2048x16xf32, #tpu.memory_space<hbm>>
    tpu.enqueue_indirect_dma source(%dma_start3A_189 : memref<2048x16xf32, #tpu.memory_space<hbm>>) target(%dma_start3A_183 : memref<128x16xf32, #tpu.memory_space<vmem>>) offsets(%dma_start3A_186 : memref<128xi32, #tpu.memory_space<vmem>>) semaphore(%arg7 : memref<!tpu.dma_semaphore, #tpu.memory_space<semaphore_mem>>)
    %dma_start3A_190 = arith.constant 19 : i32
    %dma_start3A_191 = arith.constant 2432 : i32
    %dma_start3A_192 = arith.constant 0 : i32
    %dma_start3A_193 = tpu.memref_slice %arg6[%dma_start3A_191, %dma_start3A_192] : memref<3072x16xf32, #tpu.memory_space<vmem>> -> memref<128x16xf32, #tpu.memory_space<vmem>>
    %dma_start3A_194 = arith.constant 0 : i32
    %dma_start3A_195 = tpu.memref_slice %arg5[%dma_start3A_190, %dma_start3A_194] : memref<24x128xi32, #tpu.memory_space<vmem>> -> memref<1x128xi32, #tpu.memory_space<vmem>>
    %dma_start3A_196 = tpu.memref_squeeze %dma_start3A_195 : memref<1x128xi32, #tpu.memory_space<vmem>> -> memref<128xi32, #tpu.memory_space<vmem>>
    %dma_start3A_197 = arith.constant 0 : i32
    %dma_start3A_198 = arith.constant 0 : i32
    %dma_start3A_199 = tpu.memref_slice %arg2[%dma_start3A_197, %dma_start3A_198] : memref<2048x16xf32, #tpu.memory_space<hbm>> -> memref<2048x16xf32, #tpu.memory_space<hbm>>
    tpu.enqueue_indirect_dma source(%dma_start3A_199 : memref<2048x16xf32, #tpu.memory_space<hbm>>) target(%dma_start3A_193 : memref<128x16xf32, #tpu.memory_space<vmem>>) offsets(%dma_start3A_196 : memref<128xi32, #tpu.memory_space<vmem>>) semaphore(%arg7 : memref<!tpu.dma_semaphore, #tpu.memory_space<semaphore_mem>>)
    %dma_start3A_200 = arith.constant 20 : i32
    %dma_start3A_201 = arith.constant 2560 : i32
    %dma_start3A_202 = arith.constant 0 : i32
    %dma_start3A_203 = tpu.memref_slice %arg6[%dma_start3A_201, %dma_start3A_202] : memref<3072x16xf32, #tpu.memory_space<vmem>> -> memref<128x16xf32, #tpu.memory_space<vmem>>
    %dma_start3A_204 = arith.constant 0 : i32
    %dma_start3A_205 = tpu.memref_slice %arg5[%dma_start3A_200, %dma_start3A_204] : memref<24x128xi32, #tpu.memory_space<vmem>> -> memref<1x128xi32, #tpu.memory_space<vmem>>
    %dma_start3A_206 = tpu.memref_squeeze %dma_start3A_205 : memref<1x128xi32, #tpu.memory_space<vmem>> -> memref<128xi32, #tpu.memory_space<vmem>>
    %dma_start3A_207 = arith.constant 0 : i32
    %dma_start3A_208 = arith.constant 0 : i32
    %dma_start3A_209 = tpu.memref_slice %arg2[%dma_start3A_207, %dma_start3A_208] : memref<2048x16xf32, #tpu.memory_space<hbm>> -> memref<2048x16xf32, #tpu.memory_space<hbm>>
    tpu.enqueue_indirect_dma source(%dma_start3A_209 : memref<2048x16xf32, #tpu.memory_space<hbm>>) target(%dma_start3A_203 : memref<128x16xf32, #tpu.memory_space<vmem>>) offsets(%dma_start3A_206 : memref<128xi32, #tpu.memory_space<vmem>>) semaphore(%arg7 : memref<!tpu.dma_semaphore, #tpu.memory_space<semaphore_mem>>)
    %dma_start3A_210 = arith.constant 21 : i32
    %dma_start3A_211 = arith.constant 2688 : i32
    %dma_start3A_212 = arith.constant 0 : i32
    %dma_start3A_213 = tpu.memref_slice %arg6[%dma_start3A_211, %dma_start3A_212] : memref<3072x16xf32, #tpu.memory_space<vmem>> -> memref<128x16xf32, #tpu.memory_space<vmem>>
    %dma_start3A_214 = arith.constant 0 : i32
    %dma_start3A_215 = tpu.memref_slice %arg5[%dma_start3A_210, %dma_start3A_214] : memref<24x128xi32, #tpu.memory_space<vmem>> -> memref<1x128xi32, #tpu.memory_space<vmem>>
    %dma_start3A_216 = tpu.memref_squeeze %dma_start3A_215 : memref<1x128xi32, #tpu.memory_space<vmem>> -> memref<128xi32, #tpu.memory_space<vmem>>
    %dma_start3A_217 = arith.constant 0 : i32
    %dma_start3A_218 = arith.constant 0 : i32
    %dma_start3A_219 = tpu.memref_slice %arg2[%dma_start3A_217, %dma_start3A_218] : memref<2048x16xf32, #tpu.memory_space<hbm>> -> memref<2048x16xf32, #tpu.memory_space<hbm>>
    tpu.enqueue_indirect_dma source(%dma_start3A_219 : memref<2048x16xf32, #tpu.memory_space<hbm>>) target(%dma_start3A_213 : memref<128x16xf32, #tpu.memory_space<vmem>>) offsets(%dma_start3A_216 : memref<128xi32, #tpu.memory_space<vmem>>) semaphore(%arg7 : memref<!tpu.dma_semaphore, #tpu.memory_space<semaphore_mem>>)
    %dma_start3A_220 = arith.constant 22 : i32
    %dma_start3A_221 = arith.constant 2816 : i32
    %dma_start3A_222 = arith.constant 0 : i32
    %dma_start3A_223 = tpu.memref_slice %arg6[%dma_start3A_221, %dma_start3A_222] : memref<3072x16xf32, #tpu.memory_space<vmem>> -> memref<128x16xf32, #tpu.memory_space<vmem>>
    %dma_start3A_224 = arith.constant 0 : i32
    %dma_start3A_225 = tpu.memref_slice %arg5[%dma_start3A_220, %dma_start3A_224] : memref<24x128xi32, #tpu.memory_space<vmem>> -> memref<1x128xi32, #tpu.memory_space<vmem>>
    %dma_start3A_226 = tpu.memref_squeeze %dma_start3A_225 : memref<1x128xi32, #tpu.memory_space<vmem>> -> memref<128xi32, #tpu.memory_space<vmem>>
    %dma_start3A_227 = arith.constant 0 : i32
    %dma_start3A_228 = arith.constant 0 : i32
    %dma_start3A_229 = tpu.memref_slice %arg2[%dma_start3A_227, %dma_start3A_228] : memref<2048x16xf32, #tpu.memory_space<hbm>> -> memref<2048x16xf32, #tpu.memory_space<hbm>>
    tpu.enqueue_indirect_dma source(%dma_start3A_229 : memref<2048x16xf32, #tpu.memory_space<hbm>>) target(%dma_start3A_223 : memref<128x16xf32, #tpu.memory_space<vmem>>) offsets(%dma_start3A_226 : memref<128xi32, #tpu.memory_space<vmem>>) semaphore(%arg7 : memref<!tpu.dma_semaphore, #tpu.memory_space<semaphore_mem>>)
    %dma_start3A_230 = arith.constant 23 : i32
    %dma_start3A_231 = arith.constant 2944 : i32
    %dma_start3A_232 = arith.constant 0 : i32
    %dma_start3A_233 = tpu.memref_slice %arg6[%dma_start3A_231, %dma_start3A_232] : memref<3072x16xf32, #tpu.memory_space<vmem>> -> memref<128x16xf32, #tpu.memory_space<vmem>>
    %dma_start3A_234 = arith.constant 0 : i32
    %dma_start3A_235 = tpu.memref_slice %arg5[%dma_start3A_230, %dma_start3A_234] : memref<24x128xi32, #tpu.memory_space<vmem>> -> memref<1x128xi32, #tpu.memory_space<vmem>>
    %dma_start3A_236 = tpu.memref_squeeze %dma_start3A_235 : memref<1x128xi32, #tpu.memory_space<vmem>> -> memref<128xi32, #tpu.memory_space<vmem>>
    %dma_start3A_237 = arith.constant 0 : i32
    %dma_start3A_238 = arith.constant 0 : i32
    %dma_start3A_239 = tpu.memref_slice %arg2[%dma_start3A_237, %dma_start3A_238] : memref<2048x16xf32, #tpu.memory_space<hbm>> -> memref<2048x16xf32, #tpu.memory_space<hbm>>
    tpu.enqueue_indirect_dma source(%dma_start3A_239 : memref<2048x16xf32, #tpu.memory_space<hbm>>) target(%dma_start3A_233 : memref<128x16xf32, #tpu.memory_space<vmem>>) offsets(%dma_start3A_236 : memref<128xi32, #tpu.memory_space<vmem>>) semaphore(%arg7 : memref<!tpu.dma_semaphore, #tpu.memory_space<semaphore_mem>>)
    %dma_wait3A = arith.constant 0 : i32
    %dma_wait3A_240 = arith.constant 0 : i32
    %dma_wait3A_241 = arith.constant 0 : i32
    %dma_wait3A_242 = tpu.memref_slice %arg6[%dma_wait3A_240, %dma_wait3A_241] : memref<3072x16xf32, #tpu.memory_space<vmem>> -> memref<128x16xf32, #tpu.memory_space<vmem>>
    %dma_wait3A_243 = arith.constant 0 : i32
    %dma_wait3A_244 = tpu.memref_slice %arg5[%dma_wait3A, %dma_wait3A_243] : memref<24x128xi32, #tpu.memory_space<vmem>> -> memref<1x128xi32, #tpu.memory_space<vmem>>
    %dma_wait3A_245 = tpu.memref_squeeze %dma_wait3A_244 : memref<1x128xi32, #tpu.memory_space<vmem>> -> memref<128xi32, #tpu.memory_space<vmem>>
    %dma_wait3A_246 = arith.constant 0 : i32
    %dma_wait3A_247 = arith.constant 0 : i32
    %dma_wait3A_248 = tpu.memref_slice %arg2[%dma_wait3A_246, %dma_wait3A_247] : memref<2048x16xf32, #tpu.memory_space<hbm>> -> memref<2048x16xf32, #tpu.memory_space<hbm>>
    tpu.wait_indirect_dma semaphore(%arg7 : memref<!tpu.dma_semaphore, #tpu.memory_space<semaphore_mem>>) src(%dma_wait3A_248 : memref<2048x16xf32, #tpu.memory_space<hbm>>) dst(%dma_wait3A_242 : memref<128x16xf32, #tpu.memory_space<vmem>>)
    %dma_wait3A_249 = arith.constant 1 : i32
    %dma_wait3A_250 = arith.constant 128 : i32
    %dma_wait3A_251 = arith.constant 0 : i32
    %dma_wait3A_252 = tpu.memref_slice %arg6[%dma_wait3A_250, %dma_wait3A_251] : memref<3072x16xf32, #tpu.memory_space<vmem>> -> memref<128x16xf32, #tpu.memory_space<vmem>>
    %dma_wait3A_253 = arith.constant 0 : i32
    %dma_wait3A_254 = tpu.memref_slice %arg5[%dma_wait3A_249, %dma_wait3A_253] : memref<24x128xi32, #tpu.memory_space<vmem>> -> memref<1x128xi32, #tpu.memory_space<vmem>>
    %dma_wait3A_255 = tpu.memref_squeeze %dma_wait3A_254 : memref<1x128xi32, #tpu.memory_space<vmem>> -> memref<128xi32, #tpu.memory_space<vmem>>
    %dma_wait3A_256 = arith.constant 0 : i32
    %dma_wait3A_257 = arith.constant 0 : i32
    %dma_wait3A_258 = tpu.memref_slice %arg2[%dma_wait3A_256, %dma_wait3A_257] : memref<2048x16xf32, #tpu.memory_space<hbm>> -> memref<2048x16xf32, #tpu.memory_space<hbm>>
    tpu.wait_indirect_dma semaphore(%arg7 : memref<!tpu.dma_semaphore, #tpu.memory_space<semaphore_mem>>) src(%dma_wait3A_258 : memref<2048x16xf32, #tpu.memory_space<hbm>>) dst(%dma_wait3A_252 : memref<128x16xf32, #tpu.memory_space<vmem>>)
    %dma_wait3A_259 = arith.constant 2 : i32
    %dma_wait3A_260 = arith.constant 256 : i32
    %dma_wait3A_261 = arith.constant 0 : i32
    %dma_wait3A_262 = tpu.memref_slice %arg6[%dma_wait3A_260, %dma_wait3A_261] : memref<3072x16xf32, #tpu.memory_space<vmem>> -> memref<128x16xf32, #tpu.memory_space<vmem>>
    %dma_wait3A_263 = arith.constant 0 : i32
    %dma_wait3A_264 = tpu.memref_slice %arg5[%dma_wait3A_259, %dma_wait3A_263] : memref<24x128xi32, #tpu.memory_space<vmem>> -> memref<1x128xi32, #tpu.memory_space<vmem>>
    %dma_wait3A_265 = tpu.memref_squeeze %dma_wait3A_264 : memref<1x128xi32, #tpu.memory_space<vmem>> -> memref<128xi32, #tpu.memory_space<vmem>>
    %dma_wait3A_266 = arith.constant 0 : i32
    %dma_wait3A_267 = arith.constant 0 : i32
    %dma_wait3A_268 = tpu.memref_slice %arg2[%dma_wait3A_266, %dma_wait3A_267] : memref<2048x16xf32, #tpu.memory_space<hbm>> -> memref<2048x16xf32, #tpu.memory_space<hbm>>
    tpu.wait_indirect_dma semaphore(%arg7 : memref<!tpu.dma_semaphore, #tpu.memory_space<semaphore_mem>>) src(%dma_wait3A_268 : memref<2048x16xf32, #tpu.memory_space<hbm>>) dst(%dma_wait3A_262 : memref<128x16xf32, #tpu.memory_space<vmem>>)
    %dma_wait3A_269 = arith.constant 3 : i32
    %dma_wait3A_270 = arith.constant 384 : i32
    %dma_wait3A_271 = arith.constant 0 : i32
    %dma_wait3A_272 = tpu.memref_slice %arg6[%dma_wait3A_270, %dma_wait3A_271] : memref<3072x16xf32, #tpu.memory_space<vmem>> -> memref<128x16xf32, #tpu.memory_space<vmem>>
    %dma_wait3A_273 = arith.constant 0 : i32
    %dma_wait3A_274 = tpu.memref_slice %arg5[%dma_wait3A_269, %dma_wait3A_273] : memref<24x128xi32, #tpu.memory_space<vmem>> -> memref<1x128xi32, #tpu.memory_space<vmem>>
    %dma_wait3A_275 = tpu.memref_squeeze %dma_wait3A_274 : memref<1x128xi32, #tpu.memory_space<vmem>> -> memref<128xi32, #tpu.memory_space<vmem>>
    %dma_wait3A_276 = arith.constant 0 : i32
    %dma_wait3A_277 = arith.constant 0 : i32
    %dma_wait3A_278 = tpu.memref_slice %arg2[%dma_wait3A_276, %dma_wait3A_277] : memref<2048x16xf32, #tpu.memory_space<hbm>> -> memref<2048x16xf32, #tpu.memory_space<hbm>>
    tpu.wait_indirect_dma semaphore(%arg7 : memref<!tpu.dma_semaphore, #tpu.memory_space<semaphore_mem>>) src(%dma_wait3A_278 : memref<2048x16xf32, #tpu.memory_space<hbm>>) dst(%dma_wait3A_272 : memref<128x16xf32, #tpu.memory_space<vmem>>)
    %dma_wait3A_279 = arith.constant 4 : i32
    %dma_wait3A_280 = arith.constant 512 : i32
    %dma_wait3A_281 = arith.constant 0 : i32
    %dma_wait3A_282 = tpu.memref_slice %arg6[%dma_wait3A_280, %dma_wait3A_281] : memref<3072x16xf32, #tpu.memory_space<vmem>> -> memref<128x16xf32, #tpu.memory_space<vmem>>
    %dma_wait3A_283 = arith.constant 0 : i32
    %dma_wait3A_284 = tpu.memref_slice %arg5[%dma_wait3A_279, %dma_wait3A_283] : memref<24x128xi32, #tpu.memory_space<vmem>> -> memref<1x128xi32, #tpu.memory_space<vmem>>
    %dma_wait3A_285 = tpu.memref_squeeze %dma_wait3A_284 : memref<1x128xi32, #tpu.memory_space<vmem>> -> memref<128xi32, #tpu.memory_space<vmem>>
    %dma_wait3A_286 = arith.constant 0 : i32
    %dma_wait3A_287 = arith.constant 0 : i32
    %dma_wait3A_288 = tpu.memref_slice %arg2[%dma_wait3A_286, %dma_wait3A_287] : memref<2048x16xf32, #tpu.memory_space<hbm>> -> memref<2048x16xf32, #tpu.memory_space<hbm>>
    tpu.wait_indirect_dma semaphore(%arg7 : memref<!tpu.dma_semaphore, #tpu.memory_space<semaphore_mem>>) src(%dma_wait3A_288 : memref<2048x16xf32, #tpu.memory_space<hbm>>) dst(%dma_wait3A_282 : memref<128x16xf32, #tpu.memory_space<vmem>>)
    %dma_wait3A_289 = arith.constant 5 : i32
    %dma_wait3A_290 = arith.constant 640 : i32
    %dma_wait3A_291 = arith.constant 0 : i32
    %dma_wait3A_292 = tpu.memref_slice %arg6[%dma_wait3A_290, %dma_wait3A_291] : memref<3072x16xf32, #tpu.memory_space<vmem>> -> memref<128x16xf32, #tpu.memory_space<vmem>>
    %dma_wait3A_293 = arith.constant 0 : i32
    %dma_wait3A_294 = tpu.memref_slice %arg5[%dma_wait3A_289, %dma_wait3A_293] : memref<24x128xi32, #tpu.memory_space<vmem>> -> memref<1x128xi32, #tpu.memory_space<vmem>>
    %dma_wait3A_295 = tpu.memref_squeeze %dma_wait3A_294 : memref<1x128xi32, #tpu.memory_space<vmem>> -> memref<128xi32, #tpu.memory_space<vmem>>
    %dma_wait3A_296 = arith.constant 0 : i32
    %dma_wait3A_297 = arith.constant 0 : i32
    %dma_wait3A_298 = tpu.memref_slice %arg2[%dma_wait3A_296, %dma_wait3A_297] : memref<2048x16xf32, #tpu.memory_space<hbm>> -> memref<2048x16xf32, #tpu.memory_space<hbm>>
    tpu.wait_indirect_dma semaphore(%arg7 : memref<!tpu.dma_semaphore, #tpu.memory_space<semaphore_mem>>) src(%dma_wait3A_298 : memref<2048x16xf32, #tpu.memory_space<hbm>>) dst(%dma_wait3A_292 : memref<128x16xf32, #tpu.memory_space<vmem>>)
    %dma_wait3A_299 = arith.constant 6 : i32
    %dma_wait3A_300 = arith.constant 768 : i32
    %dma_wait3A_301 = arith.constant 0 : i32
    %dma_wait3A_302 = tpu.memref_slice %arg6[%dma_wait3A_300, %dma_wait3A_301] : memref<3072x16xf32, #tpu.memory_space<vmem>> -> memref<128x16xf32, #tpu.memory_space<vmem>>
    %dma_wait3A_303 = arith.constant 0 : i32
    %dma_wait3A_304 = tpu.memref_slice %arg5[%dma_wait3A_299, %dma_wait3A_303] : memref<24x128xi32, #tpu.memory_space<vmem>> -> memref<1x128xi32, #tpu.memory_space<vmem>>
    %dma_wait3A_305 = tpu.memref_squeeze %dma_wait3A_304 : memref<1x128xi32, #tpu.memory_space<vmem>> -> memref<128xi32, #tpu.memory_space<vmem>>
    %dma_wait3A_306 = arith.constant 0 : i32
    %dma_wait3A_307 = arith.constant 0 : i32
    %dma_wait3A_308 = tpu.memref_slice %arg2[%dma_wait3A_306, %dma_wait3A_307] : memref<2048x16xf32, #tpu.memory_space<hbm>> -> memref<2048x16xf32, #tpu.memory_space<hbm>>
    tpu.wait_indirect_dma semaphore(%arg7 : memref<!tpu.dma_semaphore, #tpu.memory_space<semaphore_mem>>) src(%dma_wait3A_308 : memref<2048x16xf32, #tpu.memory_space<hbm>>) dst(%dma_wait3A_302 : memref<128x16xf32, #tpu.memory_space<vmem>>)
    %dma_wait3A_309 = arith.constant 7 : i32
    %dma_wait3A_310 = arith.constant 896 : i32
    %dma_wait3A_311 = arith.constant 0 : i32
    %dma_wait3A_312 = tpu.memref_slice %arg6[%dma_wait3A_310, %dma_wait3A_311] : memref<3072x16xf32, #tpu.memory_space<vmem>> -> memref<128x16xf32, #tpu.memory_space<vmem>>
    %dma_wait3A_313 = arith.constant 0 : i32
    %dma_wait3A_314 = tpu.memref_slice %arg5[%dma_wait3A_309, %dma_wait3A_313] : memref<24x128xi32, #tpu.memory_space<vmem>> -> memref<1x128xi32, #tpu.memory_space<vmem>>
    %dma_wait3A_315 = tpu.memref_squeeze %dma_wait3A_314 : memref<1x128xi32, #tpu.memory_space<vmem>> -> memref<128xi32, #tpu.memory_space<vmem>>
    %dma_wait3A_316 = arith.constant 0 : i32
    %dma_wait3A_317 = arith.constant 0 : i32
    %dma_wait3A_318 = tpu.memref_slice %arg2[%dma_wait3A_316, %dma_wait3A_317] : memref<2048x16xf32, #tpu.memory_space<hbm>> -> memref<2048x16xf32, #tpu.memory_space<hbm>>
    tpu.wait_indirect_dma semaphore(%arg7 : memref<!tpu.dma_semaphore, #tpu.memory_space<semaphore_mem>>) src(%dma_wait3A_318 : memref<2048x16xf32, #tpu.memory_space<hbm>>) dst(%dma_wait3A_312 : memref<128x16xf32, #tpu.memory_space<vmem>>)
    %dma_wait3A_319 = arith.constant 8 : i32
    %dma_wait3A_320 = arith.constant 1024 : i32
    %dma_wait3A_321 = arith.constant 0 : i32
    %dma_wait3A_322 = tpu.memref_slice %arg6[%dma_wait3A_320, %dma_wait3A_321] : memref<3072x16xf32, #tpu.memory_space<vmem>> -> memref<128x16xf32, #tpu.memory_space<vmem>>
    %dma_wait3A_323 = arith.constant 0 : i32
    %dma_wait3A_324 = tpu.memref_slice %arg5[%dma_wait3A_319, %dma_wait3A_323] : memref<24x128xi32, #tpu.memory_space<vmem>> -> memref<1x128xi32, #tpu.memory_space<vmem>>
    %dma_wait3A_325 = tpu.memref_squeeze %dma_wait3A_324 : memref<1x128xi32, #tpu.memory_space<vmem>> -> memref<128xi32, #tpu.memory_space<vmem>>
    %dma_wait3A_326 = arith.constant 0 : i32
    %dma_wait3A_327 = arith.constant 0 : i32
    %dma_wait3A_328 = tpu.memref_slice %arg2[%dma_wait3A_326, %dma_wait3A_327] : memref<2048x16xf32, #tpu.memory_space<hbm>> -> memref<2048x16xf32, #tpu.memory_space<hbm>>
    tpu.wait_indirect_dma semaphore(%arg7 : memref<!tpu.dma_semaphore, #tpu.memory_space<semaphore_mem>>) src(%dma_wait3A_328 : memref<2048x16xf32, #tpu.memory_space<hbm>>) dst(%dma_wait3A_322 : memref<128x16xf32, #tpu.memory_space<vmem>>)
    %dma_wait3A_329 = arith.constant 9 : i32
    %dma_wait3A_330 = arith.constant 1152 : i32
    %dma_wait3A_331 = arith.constant 0 : i32
    %dma_wait3A_332 = tpu.memref_slice %arg6[%dma_wait3A_330, %dma_wait3A_331] : memref<3072x16xf32, #tpu.memory_space<vmem>> -> memref<128x16xf32, #tpu.memory_space<vmem>>
    %dma_wait3A_333 = arith.constant 0 : i32
    %dma_wait3A_334 = tpu.memref_slice %arg5[%dma_wait3A_329, %dma_wait3A_333] : memref<24x128xi32, #tpu.memory_space<vmem>> -> memref<1x128xi32, #tpu.memory_space<vmem>>
    %dma_wait3A_335 = tpu.memref_squeeze %dma_wait3A_334 : memref<1x128xi32, #tpu.memory_space<vmem>> -> memref<128xi32, #tpu.memory_space<vmem>>
    %dma_wait3A_336 = arith.constant 0 : i32
    %dma_wait3A_337 = arith.constant 0 : i32
    %dma_wait3A_338 = tpu.memref_slice %arg2[%dma_wait3A_336, %dma_wait3A_337] : memref<2048x16xf32, #tpu.memory_space<hbm>> -> memref<2048x16xf32, #tpu.memory_space<hbm>>
    tpu.wait_indirect_dma semaphore(%arg7 : memref<!tpu.dma_semaphore, #tpu.memory_space<semaphore_mem>>) src(%dma_wait3A_338 : memref<2048x16xf32, #tpu.memory_space<hbm>>) dst(%dma_wait3A_332 : memref<128x16xf32, #tpu.memory_space<vmem>>)
    %dma_wait3A_339 = arith.constant 10 : i32
    %dma_wait3A_340 = arith.constant 1280 : i32
    %dma_wait3A_341 = arith.constant 0 : i32
    %dma_wait3A_342 = tpu.memref_slice %arg6[%dma_wait3A_340, %dma_wait3A_341] : memref<3072x16xf32, #tpu.memory_space<vmem>> -> memref<128x16xf32, #tpu.memory_space<vmem>>
    %dma_wait3A_343 = arith.constant 0 : i32
    %dma_wait3A_344 = tpu.memref_slice %arg5[%dma_wait3A_339, %dma_wait3A_343] : memref<24x128xi32, #tpu.memory_space<vmem>> -> memref<1x128xi32, #tpu.memory_space<vmem>>
    %dma_wait3A_345 = tpu.memref_squeeze %dma_wait3A_344 : memref<1x128xi32, #tpu.memory_space<vmem>> -> memref<128xi32, #tpu.memory_space<vmem>>
    %dma_wait3A_346 = arith.constant 0 : i32
    %dma_wait3A_347 = arith.constant 0 : i32
    %dma_wait3A_348 = tpu.memref_slice %arg2[%dma_wait3A_346, %dma_wait3A_347] : memref<2048x16xf32, #tpu.memory_space<hbm>> -> memref<2048x16xf32, #tpu.memory_space<hbm>>
    tpu.wait_indirect_dma semaphore(%arg7 : memref<!tpu.dma_semaphore, #tpu.memory_space<semaphore_mem>>) src(%dma_wait3A_348 : memref<2048x16xf32, #tpu.memory_space<hbm>>) dst(%dma_wait3A_342 : memref<128x16xf32, #tpu.memory_space<vmem>>)
    %dma_wait3A_349 = arith.constant 11 : i32
    %dma_wait3A_350 = arith.constant 1408 : i32
    %dma_wait3A_351 = arith.constant 0 : i32
    %dma_wait3A_352 = tpu.memref_slice %arg6[%dma_wait3A_350, %dma_wait3A_351] : memref<3072x16xf32, #tpu.memory_space<vmem>> -> memref<128x16xf32, #tpu.memory_space<vmem>>
    %dma_wait3A_353 = arith.constant 0 : i32
    %dma_wait3A_354 = tpu.memref_slice %arg5[%dma_wait3A_349, %dma_wait3A_353] : memref<24x128xi32, #tpu.memory_space<vmem>> -> memref<1x128xi32, #tpu.memory_space<vmem>>
    %dma_wait3A_355 = tpu.memref_squeeze %dma_wait3A_354 : memref<1x128xi32, #tpu.memory_space<vmem>> -> memref<128xi32, #tpu.memory_space<vmem>>
    %dma_wait3A_356 = arith.constant 0 : i32
    %dma_wait3A_357 = arith.constant 0 : i32
    %dma_wait3A_358 = tpu.memref_slice %arg2[%dma_wait3A_356, %dma_wait3A_357] : memref<2048x16xf32, #tpu.memory_space<hbm>> -> memref<2048x16xf32, #tpu.memory_space<hbm>>
    tpu.wait_indirect_dma semaphore(%arg7 : memref<!tpu.dma_semaphore, #tpu.memory_space<semaphore_mem>>) src(%dma_wait3A_358 : memref<2048x16xf32, #tpu.memory_space<hbm>>) dst(%dma_wait3A_352 : memref<128x16xf32, #tpu.memory_space<vmem>>)
    %dma_wait3A_359 = arith.constant 12 : i32
    %dma_wait3A_360 = arith.constant 1536 : i32
    %dma_wait3A_361 = arith.constant 0 : i32
    %dma_wait3A_362 = tpu.memref_slice %arg6[%dma_wait3A_360, %dma_wait3A_361] : memref<3072x16xf32, #tpu.memory_space<vmem>> -> memref<128x16xf32, #tpu.memory_space<vmem>>
    %dma_wait3A_363 = arith.constant 0 : i32
    %dma_wait3A_364 = tpu.memref_slice %arg5[%dma_wait3A_359, %dma_wait3A_363] : memref<24x128xi32, #tpu.memory_space<vmem>> -> memref<1x128xi32, #tpu.memory_space<vmem>>
    %dma_wait3A_365 = tpu.memref_squeeze %dma_wait3A_364 : memref<1x128xi32, #tpu.memory_space<vmem>> -> memref<128xi32, #tpu.memory_space<vmem>>
    %dma_wait3A_366 = arith.constant 0 : i32
    %dma_wait3A_367 = arith.constant 0 : i32
    %dma_wait3A_368 = tpu.memref_slice %arg2[%dma_wait3A_366, %dma_wait3A_367] : memref<2048x16xf32, #tpu.memory_space<hbm>> -> memref<2048x16xf32, #tpu.memory_space<hbm>>
    tpu.wait_indirect_dma semaphore(%arg7 : memref<!tpu.dma_semaphore, #tpu.memory_space<semaphore_mem>>) src(%dma_wait3A_368 : memref<2048x16xf32, #tpu.memory_space<hbm>>) dst(%dma_wait3A_362 : memref<128x16xf32, #tpu.memory_space<vmem>>)
    %dma_wait3A_369 = arith.constant 13 : i32
    %dma_wait3A_370 = arith.constant 1664 : i32
    %dma_wait3A_371 = arith.constant 0 : i32
    %dma_wait3A_372 = tpu.memref_slice %arg6[%dma_wait3A_370, %dma_wait3A_371] : memref<3072x16xf32, #tpu.memory_space<vmem>> -> memref<128x16xf32, #tpu.memory_space<vmem>>
    %dma_wait3A_373 = arith.constant 0 : i32
    %dma_wait3A_374 = tpu.memref_slice %arg5[%dma_wait3A_369, %dma_wait3A_373] : memref<24x128xi32, #tpu.memory_space<vmem>> -> memref<1x128xi32, #tpu.memory_space<vmem>>
    %dma_wait3A_375 = tpu.memref_squeeze %dma_wait3A_374 : memref<1x128xi32, #tpu.memory_space<vmem>> -> memref<128xi32, #tpu.memory_space<vmem>>
    %dma_wait3A_376 = arith.constant 0 : i32
    %dma_wait3A_377 = arith.constant 0 : i32
    %dma_wait3A_378 = tpu.memref_slice %arg2[%dma_wait3A_376, %dma_wait3A_377] : memref<2048x16xf32, #tpu.memory_space<hbm>> -> memref<2048x16xf32, #tpu.memory_space<hbm>>
    tpu.wait_indirect_dma semaphore(%arg7 : memref<!tpu.dma_semaphore, #tpu.memory_space<semaphore_mem>>) src(%dma_wait3A_378 : memref<2048x16xf32, #tpu.memory_space<hbm>>) dst(%dma_wait3A_372 : memref<128x16xf32, #tpu.memory_space<vmem>>)
    %dma_wait3A_379 = arith.constant 14 : i32
    %dma_wait3A_380 = arith.constant 1792 : i32
    %dma_wait3A_381 = arith.constant 0 : i32
    %dma_wait3A_382 = tpu.memref_slice %arg6[%dma_wait3A_380, %dma_wait3A_381] : memref<3072x16xf32, #tpu.memory_space<vmem>> -> memref<128x16xf32, #tpu.memory_space<vmem>>
    %dma_wait3A_383 = arith.constant 0 : i32
    %dma_wait3A_384 = tpu.memref_slice %arg5[%dma_wait3A_379, %dma_wait3A_383] : memref<24x128xi32, #tpu.memory_space<vmem>> -> memref<1x128xi32, #tpu.memory_space<vmem>>
    %dma_wait3A_385 = tpu.memref_squeeze %dma_wait3A_384 : memref<1x128xi32, #tpu.memory_space<vmem>> -> memref<128xi32, #tpu.memory_space<vmem>>
    %dma_wait3A_386 = arith.constant 0 : i32
    %dma_wait3A_387 = arith.constant 0 : i32
    %dma_wait3A_388 = tpu.memref_slice %arg2[%dma_wait3A_386, %dma_wait3A_387] : memref<2048x16xf32, #tpu.memory_space<hbm>> -> memref<2048x16xf32, #tpu.memory_space<hbm>>
    tpu.wait_indirect_dma semaphore(%arg7 : memref<!tpu.dma_semaphore, #tpu.memory_space<semaphore_mem>>) src(%dma_wait3A_388 : memref<2048x16xf32, #tpu.memory_space<hbm>>) dst(%dma_wait3A_382 : memref<128x16xf32, #tpu.memory_space<vmem>>)
    %dma_wait3A_389 = arith.constant 15 : i32
    %dma_wait3A_390 = arith.constant 1920 : i32
    %dma_wait3A_391 = arith.constant 0 : i32
    %dma_wait3A_392 = tpu.memref_slice %arg6[%dma_wait3A_390, %dma_wait3A_391] : memref<3072x16xf32, #tpu.memory_space<vmem>> -> memref<128x16xf32, #tpu.memory_space<vmem>>
    %dma_wait3A_393 = arith.constant 0 : i32
    %dma_wait3A_394 = tpu.memref_slice %arg5[%dma_wait3A_389, %dma_wait3A_393] : memref<24x128xi32, #tpu.memory_space<vmem>> -> memref<1x128xi32, #tpu.memory_space<vmem>>
    %dma_wait3A_395 = tpu.memref_squeeze %dma_wait3A_394 : memref<1x128xi32, #tpu.memory_space<vmem>> -> memref<128xi32, #tpu.memory_space<vmem>>
    %dma_wait3A_396 = arith.constant 0 : i32
    %dma_wait3A_397 = arith.constant 0 : i32
    %dma_wait3A_398 = tpu.memref_slice %arg2[%dma_wait3A_396, %dma_wait3A_397] : memref<2048x16xf32, #tpu.memory_space<hbm>> -> memref<2048x16xf32, #tpu.memory_space<hbm>>
    tpu.wait_indirect_dma semaphore(%arg7 : memref<!tpu.dma_semaphore, #tpu.memory_space<semaphore_mem>>) src(%dma_wait3A_398 : memref<2048x16xf32, #tpu.memory_space<hbm>>) dst(%dma_wait3A_392 : memref<128x16xf32, #tpu.memory_space<vmem>>)
    %dma_wait3A_399 = arith.constant 16 : i32
    %dma_wait3A_400 = arith.constant 2048 : i32
    %dma_wait3A_401 = arith.constant 0 : i32
    %dma_wait3A_402 = tpu.memref_slice %arg6[%dma_wait3A_400, %dma_wait3A_401] : memref<3072x16xf32, #tpu.memory_space<vmem>> -> memref<128x16xf32, #tpu.memory_space<vmem>>
    %dma_wait3A_403 = arith.constant 0 : i32
    %dma_wait3A_404 = tpu.memref_slice %arg5[%dma_wait3A_399, %dma_wait3A_403] : memref<24x128xi32, #tpu.memory_space<vmem>> -> memref<1x128xi32, #tpu.memory_space<vmem>>
    %dma_wait3A_405 = tpu.memref_squeeze %dma_wait3A_404 : memref<1x128xi32, #tpu.memory_space<vmem>> -> memref<128xi32, #tpu.memory_space<vmem>>
    %dma_wait3A_406 = arith.constant 0 : i32
    %dma_wait3A_407 = arith.constant 0 : i32
    %dma_wait3A_408 = tpu.memref_slice %arg2[%dma_wait3A_406, %dma_wait3A_407] : memref<2048x16xf32, #tpu.memory_space<hbm>> -> memref<2048x16xf32, #tpu.memory_space<hbm>>
    tpu.wait_indirect_dma semaphore(%arg7 : memref<!tpu.dma_semaphore, #tpu.memory_space<semaphore_mem>>) src(%dma_wait3A_408 : memref<2048x16xf32, #tpu.memory_space<hbm>>) dst(%dma_wait3A_402 : memref<128x16xf32, #tpu.memory_space<vmem>>)
    %dma_wait3A_409 = arith.constant 17 : i32
    %dma_wait3A_410 = arith.constant 2176 : i32
    %dma_wait3A_411 = arith.constant 0 : i32
    %dma_wait3A_412 = tpu.memref_slice %arg6[%dma_wait3A_410, %dma_wait3A_411] : memref<3072x16xf32, #tpu.memory_space<vmem>> -> memref<128x16xf32, #tpu.memory_space<vmem>>
    %dma_wait3A_413 = arith.constant 0 : i32
    %dma_wait3A_414 = tpu.memref_slice %arg5[%dma_wait3A_409, %dma_wait3A_413] : memref<24x128xi32, #tpu.memory_space<vmem>> -> memref<1x128xi32, #tpu.memory_space<vmem>>
    %dma_wait3A_415 = tpu.memref_squeeze %dma_wait3A_414 : memref<1x128xi32, #tpu.memory_space<vmem>> -> memref<128xi32, #tpu.memory_space<vmem>>
    %dma_wait3A_416 = arith.constant 0 : i32
    %dma_wait3A_417 = arith.constant 0 : i32
    %dma_wait3A_418 = tpu.memref_slice %arg2[%dma_wait3A_416, %dma_wait3A_417] : memref<2048x16xf32, #tpu.memory_space<hbm>> -> memref<2048x16xf32, #tpu.memory_space<hbm>>
    tpu.wait_indirect_dma semaphore(%arg7 : memref<!tpu.dma_semaphore, #tpu.memory_space<semaphore_mem>>) src(%dma_wait3A_418 : memref<2048x16xf32, #tpu.memory_space<hbm>>) dst(%dma_wait3A_412 : memref<128x16xf32, #tpu.memory_space<vmem>>)
    %dma_wait3A_419 = arith.constant 18 : i32
    %dma_wait3A_420 = arith.constant 2304 : i32
    %dma_wait3A_421 = arith.constant 0 : i32
    %dma_wait3A_422 = tpu.memref_slice %arg6[%dma_wait3A_420, %dma_wait3A_421] : memref<3072x16xf32, #tpu.memory_space<vmem>> -> memref<128x16xf32, #tpu.memory_space<vmem>>
    %dma_wait3A_423 = arith.constant 0 : i32
    %dma_wait3A_424 = tpu.memref_slice %arg5[%dma_wait3A_419, %dma_wait3A_423] : memref<24x128xi32, #tpu.memory_space<vmem>> -> memref<1x128xi32, #tpu.memory_space<vmem>>
    %dma_wait3A_425 = tpu.memref_squeeze %dma_wait3A_424 : memref<1x128xi32, #tpu.memory_space<vmem>> -> memref<128xi32, #tpu.memory_space<vmem>>
    %dma_wait3A_426 = arith.constant 0 : i32
    %dma_wait3A_427 = arith.constant 0 : i32
    %dma_wait3A_428 = tpu.memref_slice %arg2[%dma_wait3A_426, %dma_wait3A_427] : memref<2048x16xf32, #tpu.memory_space<hbm>> -> memref<2048x16xf32, #tpu.memory_space<hbm>>
    tpu.wait_indirect_dma semaphore(%arg7 : memref<!tpu.dma_semaphore, #tpu.memory_space<semaphore_mem>>) src(%dma_wait3A_428 : memref<2048x16xf32, #tpu.memory_space<hbm>>) dst(%dma_wait3A_422 : memref<128x16xf32, #tpu.memory_space<vmem>>)
    %dma_wait3A_429 = arith.constant 19 : i32
    %dma_wait3A_430 = arith.constant 2432 : i32
    %dma_wait3A_431 = arith.constant 0 : i32
    %dma_wait3A_432 = tpu.memref_slice %arg6[%dma_wait3A_430, %dma_wait3A_431] : memref<3072x16xf32, #tpu.memory_space<vmem>> -> memref<128x16xf32, #tpu.memory_space<vmem>>
    %dma_wait3A_433 = arith.constant 0 : i32
    %dma_wait3A_434 = tpu.memref_slice %arg5[%dma_wait3A_429, %dma_wait3A_433] : memref<24x128xi32, #tpu.memory_space<vmem>> -> memref<1x128xi32, #tpu.memory_space<vmem>>
    %dma_wait3A_435 = tpu.memref_squeeze %dma_wait3A_434 : memref<1x128xi32, #tpu.memory_space<vmem>> -> memref<128xi32, #tpu.memory_space<vmem>>
    %dma_wait3A_436 = arith.constant 0 : i32
    %dma_wait3A_437 = arith.constant 0 : i32
    %dma_wait3A_438 = tpu.memref_slice %arg2[%dma_wait3A_436, %dma_wait3A_437] : memref<2048x16xf32, #tpu.memory_space<hbm>> -> memref<2048x16xf32, #tpu.memory_space<hbm>>
    tpu.wait_indirect_dma semaphore(%arg7 : memref<!tpu.dma_semaphore, #tpu.memory_space<semaphore_mem>>) src(%dma_wait3A_438 : memref<2048x16xf32, #tpu.memory_space<hbm>>) dst(%dma_wait3A_432 : memref<128x16xf32, #tpu.memory_space<vmem>>)
    %dma_wait3A_439 = arith.constant 20 : i32
    %dma_wait3A_440 = arith.constant 2560 : i32
    %dma_wait3A_441 = arith.constant 0 : i32
    %dma_wait3A_442 = tpu.memref_slice %arg6[%dma_wait3A_440, %dma_wait3A_441] : memref<3072x16xf32, #tpu.memory_space<vmem>> -> memref<128x16xf32, #tpu.memory_space<vmem>>
    %dma_wait3A_443 = arith.constant 0 : i32
    %dma_wait3A_444 = tpu.memref_slice %arg5[%dma_wait3A_439, %dma_wait3A_443] : memref<24x128xi32, #tpu.memory_space<vmem>> -> memref<1x128xi32, #tpu.memory_space<vmem>>
    %dma_wait3A_445 = tpu.memref_squeeze %dma_wait3A_444 : memref<1x128xi32, #tpu.memory_space<vmem>> -> memref<128xi32, #tpu.memory_space<vmem>>
    %dma_wait3A_446 = arith.constant 0 : i32
    %dma_wait3A_447 = arith.constant 0 : i32
    %dma_wait3A_448 = tpu.memref_slice %arg2[%dma_wait3A_446, %dma_wait3A_447] : memref<2048x16xf32, #tpu.memory_space<hbm>> -> memref<2048x16xf32, #tpu.memory_space<hbm>>
    tpu.wait_indirect_dma semaphore(%arg7 : memref<!tpu.dma_semaphore, #tpu.memory_space<semaphore_mem>>) src(%dma_wait3A_448 : memref<2048x16xf32, #tpu.memory_space<hbm>>) dst(%dma_wait3A_442 : memref<128x16xf32, #tpu.memory_space<vmem>>)
    %dma_wait3A_449 = arith.constant 21 : i32
    %dma_wait3A_450 = arith.constant 2688 : i32
    %dma_wait3A_451 = arith.constant 0 : i32
    %dma_wait3A_452 = tpu.memref_slice %arg6[%dma_wait3A_450, %dma_wait3A_451] : memref<3072x16xf32, #tpu.memory_space<vmem>> -> memref<128x16xf32, #tpu.memory_space<vmem>>
    %dma_wait3A_453 = arith.constant 0 : i32
    %dma_wait3A_454 = tpu.memref_slice %arg5[%dma_wait3A_449, %dma_wait3A_453] : memref<24x128xi32, #tpu.memory_space<vmem>> -> memref<1x128xi32, #tpu.memory_space<vmem>>
    %dma_wait3A_455 = tpu.memref_squeeze %dma_wait3A_454 : memref<1x128xi32, #tpu.memory_space<vmem>> -> memref<128xi32, #tpu.memory_space<vmem>>
    %dma_wait3A_456 = arith.constant 0 : i32
    %dma_wait3A_457 = arith.constant 0 : i32
    %dma_wait3A_458 = tpu.memref_slice %arg2[%dma_wait3A_456, %dma_wait3A_457] : memref<2048x16xf32, #tpu.memory_space<hbm>> -> memref<2048x16xf32, #tpu.memory_space<hbm>>
    tpu.wait_indirect_dma semaphore(%arg7 : memref<!tpu.dma_semaphore, #tpu.memory_space<semaphore_mem>>) src(%dma_wait3A_458 : memref<2048x16xf32, #tpu.memory_space<hbm>>) dst(%dma_wait3A_452 : memref<128x16xf32, #tpu.memory_space<vmem>>)
    %dma_wait3A_459 = arith.constant 22 : i32
    %dma_wait3A_460 = arith.constant 2816 : i32
    %dma_wait3A_461 = arith.constant 0 : i32
    %dma_wait3A_462 = tpu.memref_slice %arg6[%dma_wait3A_460, %dma_wait3A_461] : memref<3072x16xf32, #tpu.memory_space<vmem>> -> memref<128x16xf32, #tpu.memory_space<vmem>>
    %dma_wait3A_463 = arith.constant 0 : i32
    %dma_wait3A_464 = tpu.memref_slice %arg5[%dma_wait3A_459, %dma_wait3A_463] : memref<24x128xi32, #tpu.memory_space<vmem>> -> memref<1x128xi32, #tpu.memory_space<vmem>>
    %dma_wait3A_465 = tpu.memref_squeeze %dma_wait3A_464 : memref<1x128xi32, #tpu.memory_space<vmem>> -> memref<128xi32, #tpu.memory_space<vmem>>
    %dma_wait3A_466 = arith.constant 0 : i32
    %dma_wait3A_467 = arith.constant 0 : i32
    %dma_wait3A_468 = tpu.memref_slice %arg2[%dma_wait3A_466, %dma_wait3A_467] : memref<2048x16xf32, #tpu.memory_space<hbm>> -> memref<2048x16xf32, #tpu.memory_space<hbm>>
    tpu.wait_indirect_dma semaphore(%arg7 : memref<!tpu.dma_semaphore, #tpu.memory_space<semaphore_mem>>) src(%dma_wait3A_468 : memref<2048x16xf32, #tpu.memory_space<hbm>>) dst(%dma_wait3A_462 : memref<128x16xf32, #tpu.memory_space<vmem>>)
    %dma_wait3A_469 = arith.constant 23 : i32
    %dma_wait3A_470 = arith.constant 2944 : i32
    %dma_wait3A_471 = arith.constant 0 : i32
    %dma_wait3A_472 = tpu.memref_slice %arg6[%dma_wait3A_470, %dma_wait3A_471] : memref<3072x16xf32, #tpu.memory_space<vmem>> -> memref<128x16xf32, #tpu.memory_space<vmem>>
    %dma_wait3A_473 = arith.constant 0 : i32
    %dma_wait3A_474 = tpu.memref_slice %arg5[%dma_wait3A_469, %dma_wait3A_473] : memref<24x128xi32, #tpu.memory_space<vmem>> -> memref<1x128xi32, #tpu.memory_space<vmem>>
    %dma_wait3A_475 = tpu.memref_squeeze %dma_wait3A_474 : memref<1x128xi32, #tpu.memory_space<vmem>> -> memref<128xi32, #tpu.memory_space<vmem>>
    %dma_wait3A_476 = arith.constant 0 : i32
    %dma_wait3A_477 = arith.constant 0 : i32
    %dma_wait3A_478 = tpu.memref_slice %arg2[%dma_wait3A_476, %dma_wait3A_477] : memref<2048x16xf32, #tpu.memory_space<hbm>> -> memref<2048x16xf32, #tpu.memory_space<hbm>>
    tpu.wait_indirect_dma semaphore(%arg7 : memref<!tpu.dma_semaphore, #tpu.memory_space<semaphore_mem>>) src(%dma_wait3A_478 : memref<2048x16xf32, #tpu.memory_space<hbm>>) dst(%dma_wait3A_472 : memref<128x16xf32, #tpu.memory_space<vmem>>)
    %mul3A_479 = arith.constant 3072 : i32
    %mul3A_480 = arith.muli %add3A, %mul3A_479 : i32
    "tpu.region"() ({
      %run_scoped3A = tpu.sem_alloc : memref<!tpu.dma_semaphore, #tpu.memory_space<semaphore_mem>>
      %dma_start3A_481 = arith.constant 0 : i32
      %dma_start3A_482 = tpu.memref_slice %arg4[%mul3A_480, %dma_start3A_481] : memref<98304x16xf32, #tpu.memory_space<hbm>> -> memref<3072x16xf32, #tpu.memory_space<hbm>>
      %dma_start3A_483 = arith.constant 0 : i32
      %dma_start3A_484 = tpu.memref_slice %arg4[%mul3A_480, %dma_start3A_483] : memref<98304x16xf32, #tpu.memory_space<hbm>> -> memref<3072x16xf32, #tpu.memory_space<hbm>>
      tpu.enqueue_dma source(%arg6 : memref<3072x16xf32, #tpu.memory_space<vmem>>) target(%dma_start3A_484 : memref<3072x16xf32, #tpu.memory_space<hbm>>) target_semaphore(%run_scoped3A : memref<!tpu.dma_semaphore, #tpu.memory_space<semaphore_mem>>)
      %dma_wait3A_485 = arith.constant 0 : i32
      %dma_wait3A_486 = tpu.memref_slice %arg4[%mul3A_480, %dma_wait3A_485] : memref<98304x16xf32, #tpu.memory_space<hbm>> -> memref<3072x16xf32, #tpu.memory_space<hbm>>
      %dma_wait3A_487 = arith.constant 0 : i32
      %dma_wait3A_488 = tpu.memref_slice %arg4[%mul3A_480, %dma_wait3A_487] : memref<98304x16xf32, #tpu.memory_space<hbm>> -> memref<3072x16xf32, #tpu.memory_space<hbm>>
      tpu.wait_dma2 semaphore(%run_scoped3A : memref<!tpu.dma_semaphore, #tpu.memory_space<semaphore_mem>>) src(%arg6 : memref<3072x16xf32, #tpu.memory_space<vmem>>) dst(%dma_wait3A_488 : memref<3072x16xf32, #tpu.memory_space<hbm>>)
      tpu.yield
    }) : () -> ()
    return
  }
}

module attributes {stable_mosaic.version = 14 : i64} {
  func.func @_topk_body(%arg0: i32, %arg1: i32, %arg2: memref<512x16xf32, #tpu.memory_space<vmem>>, %arg3: memref<1x3x1024xf32, #tpu.memory_space<vmem>>, %arg4: memref<512x48xi32, #tpu.memory_space<vmem>>, %arg5: memref<512x48xi32, #tpu.memory_space<vmem>>, %arg6: memref<512x48xf32, #tpu.memory_space<vmem>>) attributes {dimension_semantics = [#tpu.dimension_semantics<arbitrary>, #tpu.dimension_semantics<arbitrary>], iteration_bounds = array<i64: 2, 2>, scalar_prefetch = 0 : i64, scratch_operands = 0 : i64, tpu.core_type = #tpu.core_type<tc>, window_params = [{transform_indices = @transform_0, window_bounds = array<i64: 512, 16>}, {transform_indices = @transform_1, window_bounds = array<i64: 1, 3, 1024>}, {transform_indices = @transform_2, window_bounds = array<i64: 512, 48>}, {transform_indices = @transform_3, window_bounds = array<i64: 512, 48>}, {transform_indices = @transform_4, window_bounds = array<i64: 512, 48>}]} {
    %get3A = arith.constant 0 : index
    %get3A_0 = arith.constant 0 : index
    %get3A_1 = arith.constant 0 : index
    %get3A_2 = vector.load %arg3[%get3A, %get3A_0, %get3A_1] : memref<1x3x1024xf32, #tpu.memory_space<vmem>>, vector<1x1x1024xf32>
    %get3A_3 = vector.shape_cast %get3A_2 : vector<1x1x1024xf32> to vector<1x1024xf32>
    %get3A_4 = arith.constant 0 : index
    %get3A_5 = arith.constant 1 : index
    %get3A_6 = arith.constant 0 : index
    %get3A_7 = vector.load %arg3[%get3A_4, %get3A_5, %get3A_6] : memref<1x3x1024xf32, #tpu.memory_space<vmem>>, vector<1x1x1024xf32>
    %get3A_8 = vector.shape_cast %get3A_7 : vector<1x1x1024xf32> to vector<1x1024xf32>
    %get3A_9 = arith.constant 0 : index
    %get3A_10 = arith.constant 2 : index
    %get3A_11 = arith.constant 0 : index
    %get3A_12 = vector.load %arg3[%get3A_9, %get3A_10, %get3A_11] : memref<1x3x1024xf32, #tpu.memory_space<vmem>>, vector<1x1x1024xf32>
    %get3A_13 = vector.shape_cast %get3A_12 : vector<1x1x1024xf32> to vector<1x1024xf32>
    %iota3A = tpu.iota {dimensions = array<i32: 1>} : vector<256x1024xi32>
    %get3A_14 = arith.constant 0 : index
    %get3A_15 = arith.constant 3 : index
    %get3A_16 = vector.load %arg2[%get3A_14, %get3A_15] : memref<512x16xf32, #tpu.memory_space<vmem>>, vector<256x1xf32>
    %get3A_17 = arith.constant 0 : index
    %get3A_18 = arith.constant 4 : index
    %get3A_19 = vector.load %arg2[%get3A_17, %get3A_18] : memref<512x16xf32, #tpu.memory_space<vmem>>, vector<256x1xf32>
    %get3A_20 = arith.constant 0 : index
    %get3A_21 = arith.constant 5 : index
    %get3A_22 = vector.load %arg2[%get3A_20, %get3A_21] : memref<512x16xf32, #tpu.memory_space<vmem>>, vector<256x1xf32>
    %sub3A = vector.broadcast %get3A_16 : vector<256x1xf32> to vector<256x1024xf32>
    %sub3A_23 = vector.broadcast %get3A_3 : vector<1x1024xf32> to vector<256x1024xf32>
    %sub3A_24 = arith.subf %sub3A, %sub3A_23 : vector<256x1024xf32>
    %sub3A_25 = vector.broadcast %get3A_19 : vector<256x1xf32> to vector<256x1024xf32>
    %sub3A_26 = vector.broadcast %get3A_8 : vector<1x1024xf32> to vector<256x1024xf32>
    %sub3A_27 = arith.subf %sub3A_25, %sub3A_26 : vector<256x1024xf32>
    %sub3A_28 = vector.broadcast %get3A_22 : vector<256x1xf32> to vector<256x1024xf32>
    %sub3A_29 = vector.broadcast %get3A_13 : vector<1x1024xf32> to vector<256x1024xf32>
    %sub3A_30 = arith.subf %sub3A_28, %sub3A_29 : vector<256x1024xf32>
    %mul3A = arith.mulf %sub3A_24, %sub3A_24 : vector<256x1024xf32>
    %mul3A_31 = arith.mulf %sub3A_27, %sub3A_27 : vector<256x1024xf32>
    %add3A = arith.addf %mul3A, %mul3A_31 : vector<256x1024xf32>
    %mul3A_32 = arith.mulf %sub3A_30, %sub3A_30 : vector<256x1024xf32>
    %add3A_33 = arith.addf %add3A, %mul3A_32 : vector<256x1024xf32>
    %add3A_34 = arith.constant 9.99999997E-7 : f32
    %add3A_35 = vector.broadcast %add3A_34 : f32 to vector<256x1024xf32>
    %add3A_36 = arith.addf %add3A_33, %add3A_35 : vector<256x1024xf32>
    %sqrt3A = math.sqrt %add3A_36 : vector<256x1024xf32>
    %get3A_37 = arith.constant 256 : index
    %get3A_38 = arith.constant 3 : index
    %get3A_39 = vector.load %arg2[%get3A_37, %get3A_38] : memref<512x16xf32, #tpu.memory_space<vmem>>, vector<256x1xf32>
    %get3A_40 = arith.constant 256 : index
    %get3A_41 = arith.constant 4 : index
    %get3A_42 = vector.load %arg2[%get3A_40, %get3A_41] : memref<512x16xf32, #tpu.memory_space<vmem>>, vector<256x1xf32>
    %get3A_43 = arith.constant 256 : index
    %get3A_44 = arith.constant 5 : index
    %get3A_45 = vector.load %arg2[%get3A_43, %get3A_44] : memref<512x16xf32, #tpu.memory_space<vmem>>, vector<256x1xf32>
    %sub3A_46 = vector.broadcast %get3A_39 : vector<256x1xf32> to vector<256x1024xf32>
    %sub3A_47 = vector.broadcast %get3A_3 : vector<1x1024xf32> to vector<256x1024xf32>
    %sub3A_48 = arith.subf %sub3A_46, %sub3A_47 : vector<256x1024xf32>
    %sub3A_49 = vector.broadcast %get3A_42 : vector<256x1xf32> to vector<256x1024xf32>
    %sub3A_50 = vector.broadcast %get3A_8 : vector<1x1024xf32> to vector<256x1024xf32>
    %sub3A_51 = arith.subf %sub3A_49, %sub3A_50 : vector<256x1024xf32>
    %sub3A_52 = vector.broadcast %get3A_45 : vector<256x1xf32> to vector<256x1024xf32>
    %sub3A_53 = vector.broadcast %get3A_13 : vector<1x1024xf32> to vector<256x1024xf32>
    %sub3A_54 = arith.subf %sub3A_52, %sub3A_53 : vector<256x1024xf32>
    %mul3A_55 = arith.mulf %sub3A_48, %sub3A_48 : vector<256x1024xf32>
    %mul3A_56 = arith.mulf %sub3A_51, %sub3A_51 : vector<256x1024xf32>
    %add3A_57 = arith.addf %mul3A_55, %mul3A_56 : vector<256x1024xf32>
    %mul3A_58 = arith.mulf %sub3A_54, %sub3A_54 : vector<256x1024xf32>
    %add3A_59 = arith.addf %add3A_57, %mul3A_58 : vector<256x1024xf32>
    %add3A_60 = arith.constant 9.99999997E-7 : f32
    %add3A_61 = vector.broadcast %add3A_60 : f32 to vector<256x1024xf32>
    %add3A_62 = arith.addf %add3A_59, %add3A_61 : vector<256x1024xf32>
    %sqrt3A_63 = math.sqrt %add3A_62 : vector<256x1024xf32>
    %argmin3A = tpu.reduce_index %sqrt3A {axis = 1 : i32, kind = #tpu.reduction_kind<arg_min>} : vector<256x1024xf32> -> vector<256xi32>
    %broadcast_in_dim3A = vector.shape_cast %argmin3A : vector<256xi32> to vector<256x1xi32>
    %eq3A = vector.broadcast %broadcast_in_dim3A : vector<256x1xi32> to vector<256x1024xi32>
    %eq3A_64 = arith.cmpi eq, %iota3A, %eq3A : vector<256x1024xi32>
    %jit3A = arith.constant 0x7F800000 : f32
    %broadcast_in_dim3A_65 = vector.broadcast %jit3A : f32 to vector<256x1024xf32>
    %select_n3A = arith.select %eq3A_64, %broadcast_in_dim3A_65, %sqrt3A : vector<256x1024xi1>, vector<256x1024xf32>
    %argmin3A_66 = tpu.reduce_index %sqrt3A_63 {axis = 1 : i32, kind = #tpu.reduction_kind<arg_min>} : vector<256x1024xf32> -> vector<256xi32>
    %broadcast_in_dim3A_67 = vector.shape_cast %argmin3A_66 : vector<256xi32> to vector<256x1xi32>
    %eq3A_68 = vector.broadcast %broadcast_in_dim3A_67 : vector<256x1xi32> to vector<256x1024xi32>
    %eq3A_69 = arith.cmpi eq, %iota3A, %eq3A_68 : vector<256x1024xi32>
    %jit3A_70 = arith.constant 0x7F800000 : f32
    %broadcast_in_dim3A_71 = vector.broadcast %jit3A_70 : f32 to vector<256x1024xf32>
    %select_n3A_72 = arith.select %eq3A_69, %broadcast_in_dim3A_71, %sqrt3A_63 : vector<256x1024xi1>, vector<256x1024xf32>
    %argmin3A_73 = tpu.reduce_index %select_n3A {axis = 1 : i32, kind = #tpu.reduction_kind<arg_min>} : vector<256x1024xf32> -> vector<256xi32>
    %broadcast_in_dim3A_74 = vector.shape_cast %argmin3A_73 : vector<256xi32> to vector<256x1xi32>
    %eq3A_75 = vector.broadcast %broadcast_in_dim3A_74 : vector<256x1xi32> to vector<256x1024xi32>
    %eq3A_76 = arith.cmpi eq, %iota3A, %eq3A_75 : vector<256x1024xi32>
    %jit3A_77 = arith.constant 0x7F800000 : f32
    %broadcast_in_dim3A_78 = vector.broadcast %jit3A_77 : f32 to vector<256x1024xf32>
    %select_n3A_79 = arith.select %eq3A_76, %broadcast_in_dim3A_78, %select_n3A : vector<256x1024xi1>, vector<256x1024xf32>
    %argmin3A_80 = tpu.reduce_index %select_n3A_72 {axis = 1 : i32, kind = #tpu.reduction_kind<arg_min>} : vector<256x1024xf32> -> vector<256xi32>
    %broadcast_in_dim3A_81 = vector.shape_cast %argmin3A_80 : vector<256xi32> to vector<256x1xi32>
    %eq3A_82 = vector.broadcast %broadcast_in_dim3A_81 : vector<256x1xi32> to vector<256x1024xi32>
    %eq3A_83 = arith.cmpi eq, %iota3A, %eq3A_82 : vector<256x1024xi32>
    %jit3A_84 = arith.constant 0x7F800000 : f32
    %broadcast_in_dim3A_85 = vector.broadcast %jit3A_84 : f32 to vector<256x1024xf32>
    %select_n3A_86 = arith.select %eq3A_83, %broadcast_in_dim3A_85, %select_n3A_72 : vector<256x1024xi1>, vector<256x1024xf32>
    %argmin3A_87 = tpu.reduce_index %select_n3A_79 {axis = 1 : i32, kind = #tpu.reduction_kind<arg_min>} : vector<256x1024xf32> -> vector<256xi32>
    %broadcast_in_dim3A_88 = vector.shape_cast %argmin3A_87 : vector<256xi32> to vector<256x1xi32>
    %eq3A_89 = vector.broadcast %broadcast_in_dim3A_88 : vector<256x1xi32> to vector<256x1024xi32>
    %eq3A_90 = arith.cmpi eq, %iota3A, %eq3A_89 : vector<256x1024xi32>
    %jit3A_91 = arith.constant 0x7F800000 : f32
    %broadcast_in_dim3A_92 = vector.broadcast %jit3A_91 : f32 to vector<256x1024xf32>
    %select_n3A_93 = arith.select %eq3A_90, %broadcast_in_dim3A_92, %select_n3A_79 : vector<256x1024xi1>, vector<256x1024xf32>
    %argmin3A_94 = tpu.reduce_index %select_n3A_86 {axis = 1 : i32, kind = #tpu.reduction_kind<arg_min>} : vector<256x1024xf32> -> vector<256xi32>
    %broadcast_in_dim3A_95 = vector.shape_cast %argmin3A_94 : vector<256xi32> to vector<256x1xi32>
    %eq3A_96 = vector.broadcast %broadcast_in_dim3A_95 : vector<256x1xi32> to vector<256x1024xi32>
    %eq3A_97 = arith.cmpi eq, %iota3A, %eq3A_96 : vector<256x1024xi32>
    %jit3A_98 = arith.constant 0x7F800000 : f32
    %broadcast_in_dim3A_99 = vector.broadcast %jit3A_98 : f32 to vector<256x1024xf32>
    %select_n3A_100 = arith.select %eq3A_97, %broadcast_in_dim3A_99, %select_n3A_86 : vector<256x1024xi1>, vector<256x1024xf32>
    %argmin3A_101 = tpu.reduce_index %select_n3A_93 {axis = 1 : i32, kind = #tpu.reduction_kind<arg_min>} : vector<256x1024xf32> -> vector<256xi32>
    %broadcast_in_dim3A_102 = vector.shape_cast %argmin3A_101 : vector<256xi32> to vector<256x1xi32>
    %eq3A_103 = vector.broadcast %broadcast_in_dim3A_102 : vector<256x1xi32> to vector<256x1024xi32>
    %eq3A_104 = arith.cmpi eq, %iota3A, %eq3A_103 : vector<256x1024xi32>
    %jit3A_105 = arith.constant 0x7F800000 : f32
    %broadcast_in_dim3A_106 = vector.broadcast %jit3A_105 : f32 to vector<256x1024xf32>
    %select_n3A_107 = arith.select %eq3A_104, %broadcast_in_dim3A_106, %select_n3A_93 : vector<256x1024xi1>, vector<256x1024xf32>
    %argmin3A_108 = tpu.reduce_index %select_n3A_100 {axis = 1 : i32, kind = #tpu.reduction_kind<arg_min>} : vector<256x1024xf32> -> vector<256xi32>
    %broadcast_in_dim3A_109 = vector.shape_cast %argmin3A_108 : vector<256xi32> to vector<256x1xi32>
    %eq3A_110 = vector.broadcast %broadcast_in_dim3A_109 : vector<256x1xi32> to vector<256x1024xi32>
    %eq3A_111 = arith.cmpi eq, %iota3A, %eq3A_110 : vector<256x1024xi32>
    %jit3A_112 = arith.constant 0x7F800000 : f32
    %broadcast_in_dim3A_113 = vector.broadcast %jit3A_112 : f32 to vector<256x1024xf32>
    %select_n3A_114 = arith.select %eq3A_111, %broadcast_in_dim3A_113, %select_n3A_100 : vector<256x1024xi1>, vector<256x1024xf32>
    %argmin3A_115 = tpu.reduce_index %select_n3A_107 {axis = 1 : i32, kind = #tpu.reduction_kind<arg_min>} : vector<256x1024xf32> -> vector<256xi32>
    %broadcast_in_dim3A_116 = vector.shape_cast %argmin3A_115 : vector<256xi32> to vector<256x1xi32>
    %eq3A_117 = vector.broadcast %broadcast_in_dim3A_116 : vector<256x1xi32> to vector<256x1024xi32>
    %eq3A_118 = arith.cmpi eq, %iota3A, %eq3A_117 : vector<256x1024xi32>
    %jit3A_119 = arith.constant 0x7F800000 : f32
    %broadcast_in_dim3A_120 = vector.broadcast %jit3A_119 : f32 to vector<256x1024xf32>
    %select_n3A_121 = arith.select %eq3A_118, %broadcast_in_dim3A_120, %select_n3A_107 : vector<256x1024xi1>, vector<256x1024xf32>
    %argmin3A_122 = tpu.reduce_index %select_n3A_114 {axis = 1 : i32, kind = #tpu.reduction_kind<arg_min>} : vector<256x1024xf32> -> vector<256xi32>
    %broadcast_in_dim3A_123 = vector.shape_cast %argmin3A_122 : vector<256xi32> to vector<256x1xi32>
    %eq3A_124 = vector.broadcast %broadcast_in_dim3A_123 : vector<256x1xi32> to vector<256x1024xi32>
    %eq3A_125 = arith.cmpi eq, %iota3A, %eq3A_124 : vector<256x1024xi32>
    %jit3A_126 = arith.constant 0x7F800000 : f32
    %broadcast_in_dim3A_127 = vector.broadcast %jit3A_126 : f32 to vector<256x1024xf32>
    %select_n3A_128 = arith.select %eq3A_125, %broadcast_in_dim3A_127, %select_n3A_114 : vector<256x1024xi1>, vector<256x1024xf32>
    %argmin3A_129 = tpu.reduce_index %select_n3A_121 {axis = 1 : i32, kind = #tpu.reduction_kind<arg_min>} : vector<256x1024xf32> -> vector<256xi32>
    %broadcast_in_dim3A_130 = vector.shape_cast %argmin3A_129 : vector<256xi32> to vector<256x1xi32>
    %eq3A_131 = vector.broadcast %broadcast_in_dim3A_130 : vector<256x1xi32> to vector<256x1024xi32>
    %eq3A_132 = arith.cmpi eq, %iota3A, %eq3A_131 : vector<256x1024xi32>
    %jit3A_133 = arith.constant 0x7F800000 : f32
    %broadcast_in_dim3A_134 = vector.broadcast %jit3A_133 : f32 to vector<256x1024xf32>
    %select_n3A_135 = arith.select %eq3A_132, %broadcast_in_dim3A_134, %select_n3A_121 : vector<256x1024xi1>, vector<256x1024xf32>
    %argmin3A_136 = tpu.reduce_index %select_n3A_128 {axis = 1 : i32, kind = #tpu.reduction_kind<arg_min>} : vector<256x1024xf32> -> vector<256xi32>
    %broadcast_in_dim3A_137 = vector.shape_cast %argmin3A_136 : vector<256xi32> to vector<256x1xi32>
    %eq3A_138 = vector.broadcast %broadcast_in_dim3A_137 : vector<256x1xi32> to vector<256x1024xi32>
    %eq3A_139 = arith.cmpi eq, %iota3A, %eq3A_138 : vector<256x1024xi32>
    %jit3A_140 = arith.constant 0x7F800000 : f32
    %broadcast_in_dim3A_141 = vector.broadcast %jit3A_140 : f32 to vector<256x1024xf32>
    %select_n3A_142 = arith.select %eq3A_139, %broadcast_in_dim3A_141, %select_n3A_128 : vector<256x1024xi1>, vector<256x1024xf32>
    %argmin3A_143 = tpu.reduce_index %select_n3A_135 {axis = 1 : i32, kind = #tpu.reduction_kind<arg_min>} : vector<256x1024xf32> -> vector<256xi32>
    %broadcast_in_dim3A_144 = vector.shape_cast %argmin3A_143 : vector<256xi32> to vector<256x1xi32>
    %eq3A_145 = vector.broadcast %broadcast_in_dim3A_144 : vector<256x1xi32> to vector<256x1024xi32>
    %eq3A_146 = arith.cmpi eq, %iota3A, %eq3A_145 : vector<256x1024xi32>
    %jit3A_147 = arith.constant 0x7F800000 : f32
    %broadcast_in_dim3A_148 = vector.broadcast %jit3A_147 : f32 to vector<256x1024xf32>
    %select_n3A_149 = arith.select %eq3A_146, %broadcast_in_dim3A_148, %select_n3A_135 : vector<256x1024xi1>, vector<256x1024xf32>
    %argmin3A_150 = tpu.reduce_index %select_n3A_142 {axis = 1 : i32, kind = #tpu.reduction_kind<arg_min>} : vector<256x1024xf32> -> vector<256xi32>
    %broadcast_in_dim3A_151 = vector.shape_cast %argmin3A_150 : vector<256xi32> to vector<256x1xi32>
    %eq3A_152 = vector.broadcast %broadcast_in_dim3A_151 : vector<256x1xi32> to vector<256x1024xi32>
    %eq3A_153 = arith.cmpi eq, %iota3A, %eq3A_152 : vector<256x1024xi32>
    %jit3A_154 = arith.constant 0x7F800000 : f32
    %broadcast_in_dim3A_155 = vector.broadcast %jit3A_154 : f32 to vector<256x1024xf32>
    %select_n3A_156 = arith.select %eq3A_153, %broadcast_in_dim3A_155, %select_n3A_142 : vector<256x1024xi1>, vector<256x1024xf32>
    %argmin3A_157 = tpu.reduce_index %select_n3A_149 {axis = 1 : i32, kind = #tpu.reduction_kind<arg_min>} : vector<256x1024xf32> -> vector<256xi32>
    %broadcast_in_dim3A_158 = vector.shape_cast %argmin3A_157 : vector<256xi32> to vector<256x1xi32>
    %eq3A_159 = vector.broadcast %broadcast_in_dim3A_158 : vector<256x1xi32> to vector<256x1024xi32>
    %eq3A_160 = arith.cmpi eq, %iota3A, %eq3A_159 : vector<256x1024xi32>
    %jit3A_161 = arith.constant 0x7F800000 : f32
    %broadcast_in_dim3A_162 = vector.broadcast %jit3A_161 : f32 to vector<256x1024xf32>
    %select_n3A_163 = arith.select %eq3A_160, %broadcast_in_dim3A_162, %select_n3A_149 : vector<256x1024xi1>, vector<256x1024xf32>
    %argmin3A_164 = tpu.reduce_index %select_n3A_156 {axis = 1 : i32, kind = #tpu.reduction_kind<arg_min>} : vector<256x1024xf32> -> vector<256xi32>
    %broadcast_in_dim3A_165 = vector.shape_cast %argmin3A_164 : vector<256xi32> to vector<256x1xi32>
    %eq3A_166 = vector.broadcast %broadcast_in_dim3A_165 : vector<256x1xi32> to vector<256x1024xi32>
    %eq3A_167 = arith.cmpi eq, %iota3A, %eq3A_166 : vector<256x1024xi32>
    %jit3A_168 = arith.constant 0x7F800000 : f32
    %broadcast_in_dim3A_169 = vector.broadcast %jit3A_168 : f32 to vector<256x1024xf32>
    %select_n3A_170 = arith.select %eq3A_167, %broadcast_in_dim3A_169, %select_n3A_156 : vector<256x1024xi1>, vector<256x1024xf32>
    %argmin3A_171 = tpu.reduce_index %select_n3A_163 {axis = 1 : i32, kind = #tpu.reduction_kind<arg_min>} : vector<256x1024xf32> -> vector<256xi32>
    %broadcast_in_dim3A_172 = vector.shape_cast %argmin3A_171 : vector<256xi32> to vector<256x1xi32>
    %eq3A_173 = vector.broadcast %broadcast_in_dim3A_172 : vector<256x1xi32> to vector<256x1024xi32>
    %eq3A_174 = arith.cmpi eq, %iota3A, %eq3A_173 : vector<256x1024xi32>
    %jit3A_175 = arith.constant 0x7F800000 : f32
    %broadcast_in_dim3A_176 = vector.broadcast %jit3A_175 : f32 to vector<256x1024xf32>
    %select_n3A_177 = arith.select %eq3A_174, %broadcast_in_dim3A_176, %select_n3A_163 : vector<256x1024xi1>, vector<256x1024xf32>
    %argmin3A_178 = tpu.reduce_index %select_n3A_170 {axis = 1 : i32, kind = #tpu.reduction_kind<arg_min>} : vector<256x1024xf32> -> vector<256xi32>
    %broadcast_in_dim3A_179 = vector.shape_cast %argmin3A_178 : vector<256xi32> to vector<256x1xi32>
    %eq3A_180 = vector.broadcast %broadcast_in_dim3A_179 : vector<256x1xi32> to vector<256x1024xi32>
    %eq3A_181 = arith.cmpi eq, %iota3A, %eq3A_180 : vector<256x1024xi32>
    %jit3A_182 = arith.constant 0x7F800000 : f32
    %broadcast_in_dim3A_183 = vector.broadcast %jit3A_182 : f32 to vector<256x1024xf32>
    %select_n3A_184 = arith.select %eq3A_181, %broadcast_in_dim3A_183, %select_n3A_170 : vector<256x1024xi1>, vector<256x1024xf32>
    %argmin3A_185 = tpu.reduce_index %select_n3A_177 {axis = 1 : i32, kind = #tpu.reduction_kind<arg_min>} : vector<256x1024xf32> -> vector<256xi32>
    %broadcast_in_dim3A_186 = vector.shape_cast %argmin3A_185 : vector<256xi32> to vector<256x1xi32>
    %eq3A_187 = vector.broadcast %broadcast_in_dim3A_186 : vector<256x1xi32> to vector<256x1024xi32>
    %eq3A_188 = arith.cmpi eq, %iota3A, %eq3A_187 : vector<256x1024xi32>
    %jit3A_189 = arith.constant 0x7F800000 : f32
    %broadcast_in_dim3A_190 = vector.broadcast %jit3A_189 : f32 to vector<256x1024xf32>
    %select_n3A_191 = arith.select %eq3A_188, %broadcast_in_dim3A_190, %select_n3A_177 : vector<256x1024xi1>, vector<256x1024xf32>
    %argmin3A_192 = tpu.reduce_index %select_n3A_184 {axis = 1 : i32, kind = #tpu.reduction_kind<arg_min>} : vector<256x1024xf32> -> vector<256xi32>
    %broadcast_in_dim3A_193 = vector.shape_cast %argmin3A_192 : vector<256xi32> to vector<256x1xi32>
    %eq3A_194 = vector.broadcast %broadcast_in_dim3A_193 : vector<256x1xi32> to vector<256x1024xi32>
    %eq3A_195 = arith.cmpi eq, %iota3A, %eq3A_194 : vector<256x1024xi32>
    %jit3A_196 = arith.constant 0x7F800000 : f32
    %broadcast_in_dim3A_197 = vector.broadcast %jit3A_196 : f32 to vector<256x1024xf32>
    %select_n3A_198 = arith.select %eq3A_195, %broadcast_in_dim3A_197, %select_n3A_184 : vector<256x1024xi1>, vector<256x1024xf32>
    %argmin3A_199 = tpu.reduce_index %select_n3A_191 {axis = 1 : i32, kind = #tpu.reduction_kind<arg_min>} : vector<256x1024xf32> -> vector<256xi32>
    %broadcast_in_dim3A_200 = vector.shape_cast %argmin3A_199 : vector<256xi32> to vector<256x1xi32>
    %eq3A_201 = vector.broadcast %broadcast_in_dim3A_200 : vector<256x1xi32> to vector<256x1024xi32>
    %eq3A_202 = arith.cmpi eq, %iota3A, %eq3A_201 : vector<256x1024xi32>
    %jit3A_203 = arith.constant 0x7F800000 : f32
    %broadcast_in_dim3A_204 = vector.broadcast %jit3A_203 : f32 to vector<256x1024xf32>
    %select_n3A_205 = arith.select %eq3A_202, %broadcast_in_dim3A_204, %select_n3A_191 : vector<256x1024xi1>, vector<256x1024xf32>
    %argmin3A_206 = tpu.reduce_index %select_n3A_198 {axis = 1 : i32, kind = #tpu.reduction_kind<arg_min>} : vector<256x1024xf32> -> vector<256xi32>
    %broadcast_in_dim3A_207 = vector.shape_cast %argmin3A_206 : vector<256xi32> to vector<256x1xi32>
    %eq3A_208 = vector.broadcast %broadcast_in_dim3A_207 : vector<256x1xi32> to vector<256x1024xi32>
    %eq3A_209 = arith.cmpi eq, %iota3A, %eq3A_208 : vector<256x1024xi32>
    %jit3A_210 = arith.constant 0x7F800000 : f32
    %broadcast_in_dim3A_211 = vector.broadcast %jit3A_210 : f32 to vector<256x1024xf32>
    %select_n3A_212 = arith.select %eq3A_209, %broadcast_in_dim3A_211, %select_n3A_198 : vector<256x1024xi1>, vector<256x1024xf32>
    %argmin3A_213 = tpu.reduce_index %select_n3A_205 {axis = 1 : i32, kind = #tpu.reduction_kind<arg_min>} : vector<256x1024xf32> -> vector<256xi32>
    %broadcast_in_dim3A_214 = vector.shape_cast %argmin3A_213 : vector<256xi32> to vector<256x1xi32>
    %eq3A_215 = vector.broadcast %broadcast_in_dim3A_214 : vector<256x1xi32> to vector<256x1024xi32>
    %eq3A_216 = arith.cmpi eq, %iota3A, %eq3A_215 : vector<256x1024xi32>
    %jit3A_217 = arith.constant 0x7F800000 : f32
    %broadcast_in_dim3A_218 = vector.broadcast %jit3A_217 : f32 to vector<256x1024xf32>
    %select_n3A_219 = arith.select %eq3A_216, %broadcast_in_dim3A_218, %select_n3A_205 : vector<256x1024xi1>, vector<256x1024xf32>
    %argmin3A_220 = tpu.reduce_index %select_n3A_212 {axis = 1 : i32, kind = #tpu.reduction_kind<arg_min>} : vector<256x1024xf32> -> vector<256xi32>
    %broadcast_in_dim3A_221 = vector.shape_cast %argmin3A_220 : vector<256xi32> to vector<256x1xi32>
    %eq3A_222 = vector.broadcast %broadcast_in_dim3A_221 : vector<256x1xi32> to vector<256x1024xi32>
    %eq3A_223 = arith.cmpi eq, %iota3A, %eq3A_222 : vector<256x1024xi32>
    %jit3A_224 = arith.constant 0x7F800000 : f32
    %broadcast_in_dim3A_225 = vector.broadcast %jit3A_224 : f32 to vector<256x1024xf32>
    %select_n3A_226 = arith.select %eq3A_223, %broadcast_in_dim3A_225, %select_n3A_212 : vector<256x1024xi1>, vector<256x1024xf32>
    %argmin3A_227 = tpu.reduce_index %select_n3A_219 {axis = 1 : i32, kind = #tpu.reduction_kind<arg_min>} : vector<256x1024xf32> -> vector<256xi32>
    %broadcast_in_dim3A_228 = vector.shape_cast %argmin3A_227 : vector<256xi32> to vector<256x1xi32>
    %eq3A_229 = vector.broadcast %broadcast_in_dim3A_228 : vector<256x1xi32> to vector<256x1024xi32>
    %eq3A_230 = arith.cmpi eq, %iota3A, %eq3A_229 : vector<256x1024xi32>
    %jit3A_231 = arith.constant 0x7F800000 : f32
    %broadcast_in_dim3A_232 = vector.broadcast %jit3A_231 : f32 to vector<256x1024xf32>
    %select_n3A_233 = arith.select %eq3A_230, %broadcast_in_dim3A_232, %select_n3A_219 : vector<256x1024xi1>, vector<256x1024xf32>
    %argmin3A_234 = tpu.reduce_index %select_n3A_226 {axis = 1 : i32, kind = #tpu.reduction_kind<arg_min>} : vector<256x1024xf32> -> vector<256xi32>
    %broadcast_in_dim3A_235 = vector.shape_cast %argmin3A_234 : vector<256xi32> to vector<256x1xi32>
    %eq3A_236 = vector.broadcast %broadcast_in_dim3A_235 : vector<256x1xi32> to vector<256x1024xi32>
    %eq3A_237 = arith.cmpi eq, %iota3A, %eq3A_236 : vector<256x1024xi32>
    %jit3A_238 = arith.constant 0x7F800000 : f32
    %broadcast_in_dim3A_239 = vector.broadcast %jit3A_238 : f32 to vector<256x1024xf32>
    %select_n3A_240 = arith.select %eq3A_237, %broadcast_in_dim3A_239, %select_n3A_226 : vector<256x1024xi1>, vector<256x1024xf32>
    %argmin3A_241 = tpu.reduce_index %select_n3A_233 {axis = 1 : i32, kind = #tpu.reduction_kind<arg_min>} : vector<256x1024xf32> -> vector<256xi32>
    %broadcast_in_dim3A_242 = vector.shape_cast %argmin3A_241 : vector<256xi32> to vector<256x1xi32>
    %eq3A_243 = vector.broadcast %broadcast_in_dim3A_242 : vector<256x1xi32> to vector<256x1024xi32>
    %eq3A_244 = arith.cmpi eq, %iota3A, %eq3A_243 : vector<256x1024xi32>
    %jit3A_245 = arith.constant 0x7F800000 : f32
    %broadcast_in_dim3A_246 = vector.broadcast %jit3A_245 : f32 to vector<256x1024xf32>
    %select_n3A_247 = arith.select %eq3A_244, %broadcast_in_dim3A_246, %select_n3A_233 : vector<256x1024xi1>, vector<256x1024xf32>
    %argmin3A_248 = tpu.reduce_index %select_n3A_240 {axis = 1 : i32, kind = #tpu.reduction_kind<arg_min>} : vector<256x1024xf32> -> vector<256xi32>
    %broadcast_in_dim3A_249 = vector.shape_cast %argmin3A_248 : vector<256xi32> to vector<256x1xi32>
    %eq3A_250 = vector.broadcast %broadcast_in_dim3A_249 : vector<256x1xi32> to vector<256x1024xi32>
    %eq3A_251 = arith.cmpi eq, %iota3A, %eq3A_250 : vector<256x1024xi32>
    %jit3A_252 = arith.constant 0x7F800000 : f32
    %broadcast_in_dim3A_253 = vector.broadcast %jit3A_252 : f32 to vector<256x1024xf32>
    %select_n3A_254 = arith.select %eq3A_251, %broadcast_in_dim3A_253, %select_n3A_240 : vector<256x1024xi1>, vector<256x1024xf32>
    %argmin3A_255 = tpu.reduce_index %select_n3A_247 {axis = 1 : i32, kind = #tpu.reduction_kind<arg_min>} : vector<256x1024xf32> -> vector<256xi32>
    %broadcast_in_dim3A_256 = vector.shape_cast %argmin3A_255 : vector<256xi32> to vector<256x1xi32>
    %eq3A_257 = vector.broadcast %broadcast_in_dim3A_256 : vector<256x1xi32> to vector<256x1024xi32>
    %eq3A_258 = arith.cmpi eq, %iota3A, %eq3A_257 : vector<256x1024xi32>
    %jit3A_259 = arith.constant 0x7F800000 : f32
    %broadcast_in_dim3A_260 = vector.broadcast %jit3A_259 : f32 to vector<256x1024xf32>
    %select_n3A_261 = arith.select %eq3A_258, %broadcast_in_dim3A_260, %select_n3A_247 : vector<256x1024xi1>, vector<256x1024xf32>
    %argmin3A_262 = tpu.reduce_index %select_n3A_254 {axis = 1 : i32, kind = #tpu.reduction_kind<arg_min>} : vector<256x1024xf32> -> vector<256xi32>
    %broadcast_in_dim3A_263 = vector.shape_cast %argmin3A_262 : vector<256xi32> to vector<256x1xi32>
    %eq3A_264 = vector.broadcast %broadcast_in_dim3A_263 : vector<256x1xi32> to vector<256x1024xi32>
    %eq3A_265 = arith.cmpi eq, %iota3A, %eq3A_264 : vector<256x1024xi32>
    %jit3A_266 = arith.constant 0x7F800000 : f32
    %broadcast_in_dim3A_267 = vector.broadcast %jit3A_266 : f32 to vector<256x1024xf32>
    %select_n3A_268 = arith.select %eq3A_265, %broadcast_in_dim3A_267, %select_n3A_254 : vector<256x1024xi1>, vector<256x1024xf32>
    %argmin3A_269 = tpu.reduce_index %select_n3A_261 {axis = 1 : i32, kind = #tpu.reduction_kind<arg_min>} : vector<256x1024xf32> -> vector<256xi32>
    %broadcast_in_dim3A_270 = vector.shape_cast %argmin3A_269 : vector<256xi32> to vector<256x1xi32>
    %eq3A_271 = vector.broadcast %broadcast_in_dim3A_270 : vector<256x1xi32> to vector<256x1024xi32>
    %eq3A_272 = arith.cmpi eq, %iota3A, %eq3A_271 : vector<256x1024xi32>
    %jit3A_273 = arith.constant 0x7F800000 : f32
    %broadcast_in_dim3A_274 = vector.broadcast %jit3A_273 : f32 to vector<256x1024xf32>
    %select_n3A_275 = arith.select %eq3A_272, %broadcast_in_dim3A_274, %select_n3A_261 : vector<256x1024xi1>, vector<256x1024xf32>
    %argmin3A_276 = tpu.reduce_index %select_n3A_268 {axis = 1 : i32, kind = #tpu.reduction_kind<arg_min>} : vector<256x1024xf32> -> vector<256xi32>
    %broadcast_in_dim3A_277 = vector.shape_cast %argmin3A_276 : vector<256xi32> to vector<256x1xi32>
    %eq3A_278 = vector.broadcast %broadcast_in_dim3A_277 : vector<256x1xi32> to vector<256x1024xi32>
    %eq3A_279 = arith.cmpi eq, %iota3A, %eq3A_278 : vector<256x1024xi32>
    %jit3A_280 = arith.constant 0x7F800000 : f32
    %broadcast_in_dim3A_281 = vector.broadcast %jit3A_280 : f32 to vector<256x1024xf32>
    %select_n3A_282 = arith.select %eq3A_279, %broadcast_in_dim3A_281, %select_n3A_268 : vector<256x1024xi1>, vector<256x1024xf32>
    %argmin3A_283 = tpu.reduce_index %select_n3A_275 {axis = 1 : i32, kind = #tpu.reduction_kind<arg_min>} : vector<256x1024xf32> -> vector<256xi32>
    %broadcast_in_dim3A_284 = vector.shape_cast %argmin3A_283 : vector<256xi32> to vector<256x1xi32>
    %eq3A_285 = vector.broadcast %broadcast_in_dim3A_284 : vector<256x1xi32> to vector<256x1024xi32>
    %eq3A_286 = arith.cmpi eq, %iota3A, %eq3A_285 : vector<256x1024xi32>
    %jit3A_287 = arith.constant 0x7F800000 : f32
    %broadcast_in_dim3A_288 = vector.broadcast %jit3A_287 : f32 to vector<256x1024xf32>
    %select_n3A_289 = arith.select %eq3A_286, %broadcast_in_dim3A_288, %select_n3A_275 : vector<256x1024xi1>, vector<256x1024xf32>
    %argmin3A_290 = tpu.reduce_index %select_n3A_282 {axis = 1 : i32, kind = #tpu.reduction_kind<arg_min>} : vector<256x1024xf32> -> vector<256xi32>
    %broadcast_in_dim3A_291 = vector.shape_cast %argmin3A_290 : vector<256xi32> to vector<256x1xi32>
    %eq3A_292 = vector.broadcast %broadcast_in_dim3A_291 : vector<256x1xi32> to vector<256x1024xi32>
    %eq3A_293 = arith.cmpi eq, %iota3A, %eq3A_292 : vector<256x1024xi32>
    %jit3A_294 = arith.constant 0x7F800000 : f32
    %broadcast_in_dim3A_295 = vector.broadcast %jit3A_294 : f32 to vector<256x1024xf32>
    %select_n3A_296 = arith.select %eq3A_293, %broadcast_in_dim3A_295, %select_n3A_282 : vector<256x1024xi1>, vector<256x1024xf32>
    %argmin3A_297 = tpu.reduce_index %select_n3A_289 {axis = 1 : i32, kind = #tpu.reduction_kind<arg_min>} : vector<256x1024xf32> -> vector<256xi32>
    %broadcast_in_dim3A_298 = vector.shape_cast %argmin3A_297 : vector<256xi32> to vector<256x1xi32>
    %eq3A_299 = vector.broadcast %broadcast_in_dim3A_298 : vector<256x1xi32> to vector<256x1024xi32>
    %eq3A_300 = arith.cmpi eq, %iota3A, %eq3A_299 : vector<256x1024xi32>
    %jit3A_301 = arith.constant 0x7F800000 : f32
    %broadcast_in_dim3A_302 = vector.broadcast %jit3A_301 : f32 to vector<256x1024xf32>
    %select_n3A_303 = arith.select %eq3A_300, %broadcast_in_dim3A_302, %select_n3A_289 : vector<256x1024xi1>, vector<256x1024xf32>
    %argmin3A_304 = tpu.reduce_index %select_n3A_296 {axis = 1 : i32, kind = #tpu.reduction_kind<arg_min>} : vector<256x1024xf32> -> vector<256xi32>
    %broadcast_in_dim3A_305 = vector.shape_cast %argmin3A_304 : vector<256xi32> to vector<256x1xi32>
    %eq3A_306 = vector.broadcast %broadcast_in_dim3A_305 : vector<256x1xi32> to vector<256x1024xi32>
    %eq3A_307 = arith.cmpi eq, %iota3A, %eq3A_306 : vector<256x1024xi32>
    %jit3A_308 = arith.constant 0x7F800000 : f32
    %broadcast_in_dim3A_309 = vector.broadcast %jit3A_308 : f32 to vector<256x1024xf32>
    %select_n3A_310 = arith.select %eq3A_307, %broadcast_in_dim3A_309, %select_n3A_296 : vector<256x1024xi1>, vector<256x1024xf32>
    %argmin3A_311 = tpu.reduce_index %select_n3A_303 {axis = 1 : i32, kind = #tpu.reduction_kind<arg_min>} : vector<256x1024xf32> -> vector<256xi32>
    %broadcast_in_dim3A_312 = vector.shape_cast %argmin3A_311 : vector<256xi32> to vector<256x1xi32>
    %eq3A_313 = vector.broadcast %broadcast_in_dim3A_312 : vector<256x1xi32> to vector<256x1024xi32>
    %eq3A_314 = arith.cmpi eq, %iota3A, %eq3A_313 : vector<256x1024xi32>
    %jit3A_315 = arith.constant 0x7F800000 : f32
    %broadcast_in_dim3A_316 = vector.broadcast %jit3A_315 : f32 to vector<256x1024xf32>
    %select_n3A_317 = arith.select %eq3A_314, %broadcast_in_dim3A_316, %select_n3A_303 : vector<256x1024xi1>, vector<256x1024xf32>
    %argmin3A_318 = tpu.reduce_index %select_n3A_310 {axis = 1 : i32, kind = #tpu.reduction_kind<arg_min>} : vector<256x1024xf32> -> vector<256xi32>
    %broadcast_in_dim3A_319 = vector.shape_cast %argmin3A_318 : vector<256xi32> to vector<256x1xi32>
    %eq3A_320 = vector.broadcast %broadcast_in_dim3A_319 : vector<256x1xi32> to vector<256x1024xi32>
    %eq3A_321 = arith.cmpi eq, %iota3A, %eq3A_320 : vector<256x1024xi32>
    %jit3A_322 = arith.constant 0x7F800000 : f32
    %broadcast_in_dim3A_323 = vector.broadcast %jit3A_322 : f32 to vector<256x1024xf32>
    %select_n3A_324 = arith.select %eq3A_321, %broadcast_in_dim3A_323, %select_n3A_310 : vector<256x1024xi1>, vector<256x1024xf32>
    %argmin3A_325 = tpu.reduce_index %select_n3A_317 {axis = 1 : i32, kind = #tpu.reduction_kind<arg_min>} : vector<256x1024xf32> -> vector<256xi32>
    %broadcast_in_dim3A_326 = vector.shape_cast %argmin3A_325 : vector<256xi32> to vector<256x1xi32>
    %eq3A_327 = vector.broadcast %broadcast_in_dim3A_326 : vector<256x1xi32> to vector<256x1024xi32>
    %eq3A_328 = arith.cmpi eq, %iota3A, %eq3A_327 : vector<256x1024xi32>
    %jit3A_329 = arith.constant 0x7F800000 : f32
    %broadcast_in_dim3A_330 = vector.broadcast %jit3A_329 : f32 to vector<256x1024xf32>
    %select_n3A_331 = arith.select %eq3A_328, %broadcast_in_dim3A_330, %select_n3A_317 : vector<256x1024xi1>, vector<256x1024xf32>
    %argmin3A_332 = tpu.reduce_index %select_n3A_324 {axis = 1 : i32, kind = #tpu.reduction_kind<arg_min>} : vector<256x1024xf32> -> vector<256xi32>
    %broadcast_in_dim3A_333 = vector.shape_cast %argmin3A_332 : vector<256xi32> to vector<256x1xi32>
    %eq3A_334 = vector.broadcast %broadcast_in_dim3A_333 : vector<256x1xi32> to vector<256x1024xi32>
    %eq3A_335 = arith.cmpi eq, %iota3A, %eq3A_334 : vector<256x1024xi32>
    %jit3A_336 = arith.constant 0x7F800000 : f32
    %broadcast_in_dim3A_337 = vector.broadcast %jit3A_336 : f32 to vector<256x1024xf32>
    %select_n3A_338 = arith.select %eq3A_335, %broadcast_in_dim3A_337, %select_n3A_324 : vector<256x1024xi1>, vector<256x1024xf32>
    %argmin3A_339 = tpu.reduce_index %select_n3A_331 {axis = 1 : i32, kind = #tpu.reduction_kind<arg_min>} : vector<256x1024xf32> -> vector<256xi32>
    %broadcast_in_dim3A_340 = vector.shape_cast %argmin3A_339 : vector<256xi32> to vector<256x1xi32>
    %eq3A_341 = vector.broadcast %broadcast_in_dim3A_340 : vector<256x1xi32> to vector<256x1024xi32>
    %eq3A_342 = arith.cmpi eq, %iota3A, %eq3A_341 : vector<256x1024xi32>
    %jit3A_343 = arith.constant 0x7F800000 : f32
    %broadcast_in_dim3A_344 = vector.broadcast %jit3A_343 : f32 to vector<256x1024xf32>
    %select_n3A_345 = arith.select %eq3A_342, %broadcast_in_dim3A_344, %select_n3A_331 : vector<256x1024xi1>, vector<256x1024xf32>
    %argmin3A_346 = tpu.reduce_index %select_n3A_338 {axis = 1 : i32, kind = #tpu.reduction_kind<arg_min>} : vector<256x1024xf32> -> vector<256xi32>
    %broadcast_in_dim3A_347 = vector.shape_cast %argmin3A_346 : vector<256xi32> to vector<256x1xi32>
    %eq3A_348 = vector.broadcast %broadcast_in_dim3A_347 : vector<256x1xi32> to vector<256x1024xi32>
    %eq3A_349 = arith.cmpi eq, %iota3A, %eq3A_348 : vector<256x1024xi32>
    %jit3A_350 = arith.constant 0x7F800000 : f32
    %broadcast_in_dim3A_351 = vector.broadcast %jit3A_350 : f32 to vector<256x1024xf32>
    %select_n3A_352 = arith.select %eq3A_349, %broadcast_in_dim3A_351, %select_n3A_338 : vector<256x1024xi1>, vector<256x1024xf32>
    %argmin3A_353 = tpu.reduce_index %select_n3A_345 {axis = 1 : i32, kind = #tpu.reduction_kind<arg_min>} : vector<256x1024xf32> -> vector<256xi32>
    %broadcast_in_dim3A_354 = vector.shape_cast %argmin3A_353 : vector<256xi32> to vector<256x1xi32>
    %eq3A_355 = vector.broadcast %broadcast_in_dim3A_354 : vector<256x1xi32> to vector<256x1024xi32>
    %eq3A_356 = arith.cmpi eq, %iota3A, %eq3A_355 : vector<256x1024xi32>
    %jit3A_357 = arith.constant 0x7F800000 : f32
    %broadcast_in_dim3A_358 = vector.broadcast %jit3A_357 : f32 to vector<256x1024xf32>
    %select_n3A_359 = arith.select %eq3A_356, %broadcast_in_dim3A_358, %select_n3A_345 : vector<256x1024xi1>, vector<256x1024xf32>
    %argmin3A_360 = tpu.reduce_index %select_n3A_352 {axis = 1 : i32, kind = #tpu.reduction_kind<arg_min>} : vector<256x1024xf32> -> vector<256xi32>
    %broadcast_in_dim3A_361 = vector.shape_cast %argmin3A_360 : vector<256xi32> to vector<256x1xi32>
    %eq3A_362 = vector.broadcast %broadcast_in_dim3A_361 : vector<256x1xi32> to vector<256x1024xi32>
    %eq3A_363 = arith.cmpi eq, %iota3A, %eq3A_362 : vector<256x1024xi32>
    %jit3A_364 = arith.constant 0x7F800000 : f32
    %broadcast_in_dim3A_365 = vector.broadcast %jit3A_364 : f32 to vector<256x1024xf32>
    %select_n3A_366 = arith.select %eq3A_363, %broadcast_in_dim3A_365, %select_n3A_352 : vector<256x1024xi1>, vector<256x1024xf32>
    %argmin3A_367 = tpu.reduce_index %select_n3A_359 {axis = 1 : i32, kind = #tpu.reduction_kind<arg_min>} : vector<256x1024xf32> -> vector<256xi32>
    %broadcast_in_dim3A_368 = vector.shape_cast %argmin3A_367 : vector<256xi32> to vector<256x1xi32>
    %eq3A_369 = vector.broadcast %broadcast_in_dim3A_368 : vector<256x1xi32> to vector<256x1024xi32>
    %eq3A_370 = arith.cmpi eq, %iota3A, %eq3A_369 : vector<256x1024xi32>
    %jit3A_371 = arith.constant 0x7F800000 : f32
    %broadcast_in_dim3A_372 = vector.broadcast %jit3A_371 : f32 to vector<256x1024xf32>
    %select_n3A_373 = arith.select %eq3A_370, %broadcast_in_dim3A_372, %select_n3A_359 : vector<256x1024xi1>, vector<256x1024xf32>
    %argmin3A_374 = tpu.reduce_index %select_n3A_366 {axis = 1 : i32, kind = #tpu.reduction_kind<arg_min>} : vector<256x1024xf32> -> vector<256xi32>
    %broadcast_in_dim3A_375 = vector.shape_cast %argmin3A_374 : vector<256xi32> to vector<256x1xi32>
    %eq3A_376 = vector.broadcast %broadcast_in_dim3A_375 : vector<256x1xi32> to vector<256x1024xi32>
    %eq3A_377 = arith.cmpi eq, %iota3A, %eq3A_376 : vector<256x1024xi32>
    %jit3A_378 = arith.constant 0x7F800000 : f32
    %broadcast_in_dim3A_379 = vector.broadcast %jit3A_378 : f32 to vector<256x1024xf32>
    %select_n3A_380 = arith.select %eq3A_377, %broadcast_in_dim3A_379, %select_n3A_366 : vector<256x1024xi1>, vector<256x1024xf32>
    %argmin3A_381 = tpu.reduce_index %select_n3A_373 {axis = 1 : i32, kind = #tpu.reduction_kind<arg_min>} : vector<256x1024xf32> -> vector<256xi32>
    %broadcast_in_dim3A_382 = vector.shape_cast %argmin3A_381 : vector<256xi32> to vector<256x1xi32>
    %eq3A_383 = vector.broadcast %broadcast_in_dim3A_382 : vector<256x1xi32> to vector<256x1024xi32>
    %eq3A_384 = arith.cmpi eq, %iota3A, %eq3A_383 : vector<256x1024xi32>
    %jit3A_385 = arith.constant 0x7F800000 : f32
    %broadcast_in_dim3A_386 = vector.broadcast %jit3A_385 : f32 to vector<256x1024xf32>
    %select_n3A_387 = arith.select %eq3A_384, %broadcast_in_dim3A_386, %select_n3A_373 : vector<256x1024xi1>, vector<256x1024xf32>
    %argmin3A_388 = tpu.reduce_index %select_n3A_380 {axis = 1 : i32, kind = #tpu.reduction_kind<arg_min>} : vector<256x1024xf32> -> vector<256xi32>
    %broadcast_in_dim3A_389 = vector.shape_cast %argmin3A_388 : vector<256xi32> to vector<256x1xi32>
    %eq3A_390 = vector.broadcast %broadcast_in_dim3A_389 : vector<256x1xi32> to vector<256x1024xi32>
    %eq3A_391 = arith.cmpi eq, %iota3A, %eq3A_390 : vector<256x1024xi32>
    %jit3A_392 = arith.constant 0x7F800000 : f32
    %broadcast_in_dim3A_393 = vector.broadcast %jit3A_392 : f32 to vector<256x1024xf32>
    %select_n3A_394 = arith.select %eq3A_391, %broadcast_in_dim3A_393, %select_n3A_380 : vector<256x1024xi1>, vector<256x1024xf32>
    %argmin3A_395 = tpu.reduce_index %select_n3A_387 {axis = 1 : i32, kind = #tpu.reduction_kind<arg_min>} : vector<256x1024xf32> -> vector<256xi32>
    %broadcast_in_dim3A_396 = vector.shape_cast %argmin3A_395 : vector<256xi32> to vector<256x1xi32>
    %eq3A_397 = vector.broadcast %broadcast_in_dim3A_396 : vector<256x1xi32> to vector<256x1024xi32>
    %eq3A_398 = arith.cmpi eq, %iota3A, %eq3A_397 : vector<256x1024xi32>
    %jit3A_399 = arith.constant 0x7F800000 : f32
    %broadcast_in_dim3A_400 = vector.broadcast %jit3A_399 : f32 to vector<256x1024xf32>
    %select_n3A_401 = arith.select %eq3A_398, %broadcast_in_dim3A_400, %select_n3A_387 : vector<256x1024xi1>, vector<256x1024xf32>
    %argmin3A_402 = tpu.reduce_index %select_n3A_394 {axis = 1 : i32, kind = #tpu.reduction_kind<arg_min>} : vector<256x1024xf32> -> vector<256xi32>
    %broadcast_in_dim3A_403 = vector.shape_cast %argmin3A_402 : vector<256xi32> to vector<256x1xi32>
    %eq3A_404 = vector.broadcast %broadcast_in_dim3A_403 : vector<256x1xi32> to vector<256x1024xi32>
    %eq3A_405 = arith.cmpi eq, %iota3A, %eq3A_404 : vector<256x1024xi32>
    %jit3A_406 = arith.constant 0x7F800000 : f32
    %broadcast_in_dim3A_407 = vector.broadcast %jit3A_406 : f32 to vector<256x1024xf32>
    %select_n3A_408 = arith.select %eq3A_405, %broadcast_in_dim3A_407, %select_n3A_394 : vector<256x1024xi1>, vector<256x1024xf32>
    %argmin3A_409 = tpu.reduce_index %select_n3A_401 {axis = 1 : i32, kind = #tpu.reduction_kind<arg_min>} : vector<256x1024xf32> -> vector<256xi32>
    %broadcast_in_dim3A_410 = vector.shape_cast %argmin3A_409 : vector<256xi32> to vector<256x1xi32>
    %eq3A_411 = vector.broadcast %broadcast_in_dim3A_410 : vector<256x1xi32> to vector<256x1024xi32>
    %eq3A_412 = arith.cmpi eq, %iota3A, %eq3A_411 : vector<256x1024xi32>
    %jit3A_413 = arith.constant 0x7F800000 : f32
    %broadcast_in_dim3A_414 = vector.broadcast %jit3A_413 : f32 to vector<256x1024xf32>
    %select_n3A_415 = arith.select %eq3A_412, %broadcast_in_dim3A_414, %select_n3A_401 : vector<256x1024xi1>, vector<256x1024xf32>
    %argmin3A_416 = tpu.reduce_index %select_n3A_408 {axis = 1 : i32, kind = #tpu.reduction_kind<arg_min>} : vector<256x1024xf32> -> vector<256xi32>
    %broadcast_in_dim3A_417 = vector.shape_cast %argmin3A_416 : vector<256xi32> to vector<256x1xi32>
    %eq3A_418 = vector.broadcast %broadcast_in_dim3A_417 : vector<256x1xi32> to vector<256x1024xi32>
    %eq3A_419 = arith.cmpi eq, %iota3A, %eq3A_418 : vector<256x1024xi32>
    %jit3A_420 = arith.constant 0x7F800000 : f32
    %broadcast_in_dim3A_421 = vector.broadcast %jit3A_420 : f32 to vector<256x1024xf32>
    %select_n3A_422 = arith.select %eq3A_419, %broadcast_in_dim3A_421, %select_n3A_408 : vector<256x1024xi1>, vector<256x1024xf32>
    %argmin3A_423 = tpu.reduce_index %select_n3A_415 {axis = 1 : i32, kind = #tpu.reduction_kind<arg_min>} : vector<256x1024xf32> -> vector<256xi32>
    %broadcast_in_dim3A_424 = vector.shape_cast %argmin3A_423 : vector<256xi32> to vector<256x1xi32>
    %eq3A_425 = vector.broadcast %broadcast_in_dim3A_424 : vector<256x1xi32> to vector<256x1024xi32>
    %eq3A_426 = arith.cmpi eq, %iota3A, %eq3A_425 : vector<256x1024xi32>
    %jit3A_427 = arith.constant 0x7F800000 : f32
    %broadcast_in_dim3A_428 = vector.broadcast %jit3A_427 : f32 to vector<256x1024xf32>
    %select_n3A_429 = arith.select %eq3A_426, %broadcast_in_dim3A_428, %select_n3A_415 : vector<256x1024xi1>, vector<256x1024xf32>
    %argmin3A_430 = tpu.reduce_index %select_n3A_422 {axis = 1 : i32, kind = #tpu.reduction_kind<arg_min>} : vector<256x1024xf32> -> vector<256xi32>
    %broadcast_in_dim3A_431 = vector.shape_cast %argmin3A_430 : vector<256xi32> to vector<256x1xi32>
    %eq3A_432 = vector.broadcast %broadcast_in_dim3A_431 : vector<256x1xi32> to vector<256x1024xi32>
    %eq3A_433 = arith.cmpi eq, %iota3A, %eq3A_432 : vector<256x1024xi32>
    %jit3A_434 = arith.constant 0x7F800000 : f32
    %broadcast_in_dim3A_435 = vector.broadcast %jit3A_434 : f32 to vector<256x1024xf32>
    %select_n3A_436 = arith.select %eq3A_433, %broadcast_in_dim3A_435, %select_n3A_422 : vector<256x1024xi1>, vector<256x1024xf32>
    %argmin3A_437 = tpu.reduce_index %select_n3A_429 {axis = 1 : i32, kind = #tpu.reduction_kind<arg_min>} : vector<256x1024xf32> -> vector<256xi32>
    %broadcast_in_dim3A_438 = vector.shape_cast %argmin3A_437 : vector<256xi32> to vector<256x1xi32>
    %eq3A_439 = vector.broadcast %broadcast_in_dim3A_438 : vector<256x1xi32> to vector<256x1024xi32>
    %eq3A_440 = arith.cmpi eq, %iota3A, %eq3A_439 : vector<256x1024xi32>
    %jit3A_441 = arith.constant 0x7F800000 : f32
    %broadcast_in_dim3A_442 = vector.broadcast %jit3A_441 : f32 to vector<256x1024xf32>
    %select_n3A_443 = arith.select %eq3A_440, %broadcast_in_dim3A_442, %select_n3A_429 : vector<256x1024xi1>, vector<256x1024xf32>
    %argmin3A_444 = tpu.reduce_index %select_n3A_436 {axis = 1 : i32, kind = #tpu.reduction_kind<arg_min>} : vector<256x1024xf32> -> vector<256xi32>
    %broadcast_in_dim3A_445 = vector.shape_cast %argmin3A_444 : vector<256xi32> to vector<256x1xi32>
    %eq3A_446 = vector.broadcast %broadcast_in_dim3A_445 : vector<256x1xi32> to vector<256x1024xi32>
    %eq3A_447 = arith.cmpi eq, %iota3A, %eq3A_446 : vector<256x1024xi32>
    %jit3A_448 = arith.constant 0x7F800000 : f32
    %broadcast_in_dim3A_449 = vector.broadcast %jit3A_448 : f32 to vector<256x1024xf32>
    %select_n3A_450 = arith.select %eq3A_447, %broadcast_in_dim3A_449, %select_n3A_436 : vector<256x1024xi1>, vector<256x1024xf32>
    %argmin3A_451 = tpu.reduce_index %select_n3A_443 {axis = 1 : i32, kind = #tpu.reduction_kind<arg_min>} : vector<256x1024xf32> -> vector<256xi32>
    %broadcast_in_dim3A_452 = vector.shape_cast %argmin3A_451 : vector<256xi32> to vector<256x1xi32>
    %eq3A_453 = vector.broadcast %broadcast_in_dim3A_452 : vector<256x1xi32> to vector<256x1024xi32>
    %eq3A_454 = arith.cmpi eq, %iota3A, %eq3A_453 : vector<256x1024xi32>
    %jit3A_455 = arith.constant 0x7F800000 : f32
    %broadcast_in_dim3A_456 = vector.broadcast %jit3A_455 : f32 to vector<256x1024xf32>
    %select_n3A_457 = arith.select %eq3A_454, %broadcast_in_dim3A_456, %select_n3A_443 : vector<256x1024xi1>, vector<256x1024xf32>
    %argmin3A_458 = tpu.reduce_index %select_n3A_450 {axis = 1 : i32, kind = #tpu.reduction_kind<arg_min>} : vector<256x1024xf32> -> vector<256xi32>
    %broadcast_in_dim3A_459 = vector.shape_cast %argmin3A_458 : vector<256xi32> to vector<256x1xi32>
    %eq3A_460 = vector.broadcast %broadcast_in_dim3A_459 : vector<256x1xi32> to vector<256x1024xi32>
    %eq3A_461 = arith.cmpi eq, %iota3A, %eq3A_460 : vector<256x1024xi32>
    %jit3A_462 = arith.constant 0x7F800000 : f32
    %broadcast_in_dim3A_463 = vector.broadcast %jit3A_462 : f32 to vector<256x1024xf32>
    %select_n3A_464 = arith.select %eq3A_461, %broadcast_in_dim3A_463, %select_n3A_450 : vector<256x1024xi1>, vector<256x1024xf32>
    %argmin3A_465 = tpu.reduce_index %select_n3A_457 {axis = 1 : i32, kind = #tpu.reduction_kind<arg_min>} : vector<256x1024xf32> -> vector<256xi32>
    %broadcast_in_dim3A_466 = vector.shape_cast %argmin3A_465 : vector<256xi32> to vector<256x1xi32>
    %eq3A_467 = vector.broadcast %broadcast_in_dim3A_466 : vector<256x1xi32> to vector<256x1024xi32>
    %eq3A_468 = arith.cmpi eq, %iota3A, %eq3A_467 : vector<256x1024xi32>
    %jit3A_469 = arith.constant 0x7F800000 : f32
    %broadcast_in_dim3A_470 = vector.broadcast %jit3A_469 : f32 to vector<256x1024xf32>
    %select_n3A_471 = arith.select %eq3A_468, %broadcast_in_dim3A_470, %select_n3A_457 : vector<256x1024xi1>, vector<256x1024xf32>
    %argmin3A_472 = tpu.reduce_index %select_n3A_464 {axis = 1 : i32, kind = #tpu.reduction_kind<arg_min>} : vector<256x1024xf32> -> vector<256xi32>
    %broadcast_in_dim3A_473 = vector.shape_cast %argmin3A_472 : vector<256xi32> to vector<256x1xi32>
    %eq3A_474 = vector.broadcast %broadcast_in_dim3A_473 : vector<256x1xi32> to vector<256x1024xi32>
    %eq3A_475 = arith.cmpi eq, %iota3A, %eq3A_474 : vector<256x1024xi32>
    %jit3A_476 = arith.constant 0x7F800000 : f32
    %broadcast_in_dim3A_477 = vector.broadcast %jit3A_476 : f32 to vector<256x1024xf32>
    %select_n3A_478 = arith.select %eq3A_475, %broadcast_in_dim3A_477, %select_n3A_464 : vector<256x1024xi1>, vector<256x1024xf32>
    %argmin3A_479 = tpu.reduce_index %select_n3A_471 {axis = 1 : i32, kind = #tpu.reduction_kind<arg_min>} : vector<256x1024xf32> -> vector<256xi32>
    %broadcast_in_dim3A_480 = vector.shape_cast %argmin3A_479 : vector<256xi32> to vector<256x1xi32>
    %eq3A_481 = vector.broadcast %broadcast_in_dim3A_480 : vector<256x1xi32> to vector<256x1024xi32>
    %eq3A_482 = arith.cmpi eq, %iota3A, %eq3A_481 : vector<256x1024xi32>
    %jit3A_483 = arith.constant 0x7F800000 : f32
    %broadcast_in_dim3A_484 = vector.broadcast %jit3A_483 : f32 to vector<256x1024xf32>
    %select_n3A_485 = arith.select %eq3A_482, %broadcast_in_dim3A_484, %select_n3A_471 : vector<256x1024xi1>, vector<256x1024xf32>
    %argmin3A_486 = tpu.reduce_index %select_n3A_478 {axis = 1 : i32, kind = #tpu.reduction_kind<arg_min>} : vector<256x1024xf32> -> vector<256xi32>
    %broadcast_in_dim3A_487 = vector.shape_cast %argmin3A_486 : vector<256xi32> to vector<256x1xi32>
    %eq3A_488 = vector.broadcast %broadcast_in_dim3A_487 : vector<256x1xi32> to vector<256x1024xi32>
    %eq3A_489 = arith.cmpi eq, %iota3A, %eq3A_488 : vector<256x1024xi32>
    %jit3A_490 = arith.constant 0x7F800000 : f32
    %broadcast_in_dim3A_491 = vector.broadcast %jit3A_490 : f32 to vector<256x1024xf32>
    %select_n3A_492 = arith.select %eq3A_489, %broadcast_in_dim3A_491, %select_n3A_478 : vector<256x1024xi1>, vector<256x1024xf32>
    %argmin3A_493 = tpu.reduce_index %select_n3A_485 {axis = 1 : i32, kind = #tpu.reduction_kind<arg_min>} : vector<256x1024xf32> -> vector<256xi32>
    %broadcast_in_dim3A_494 = vector.shape_cast %argmin3A_493 : vector<256xi32> to vector<256x1xi32>
    %eq3A_495 = vector.broadcast %broadcast_in_dim3A_494 : vector<256x1xi32> to vector<256x1024xi32>
    %eq3A_496 = arith.cmpi eq, %iota3A, %eq3A_495 : vector<256x1024xi32>
    %jit3A_497 = arith.constant 0x7F800000 : f32
    %broadcast_in_dim3A_498 = vector.broadcast %jit3A_497 : f32 to vector<256x1024xf32>
    %select_n3A_499 = arith.select %eq3A_496, %broadcast_in_dim3A_498, %select_n3A_485 : vector<256x1024xi1>, vector<256x1024xf32>
    %argmin3A_500 = tpu.reduce_index %select_n3A_492 {axis = 1 : i32, kind = #tpu.reduction_kind<arg_min>} : vector<256x1024xf32> -> vector<256xi32>
    %broadcast_in_dim3A_501 = vector.shape_cast %argmin3A_500 : vector<256xi32> to vector<256x1xi32>
    %eq3A_502 = vector.broadcast %broadcast_in_dim3A_501 : vector<256x1xi32> to vector<256x1024xi32>
    %eq3A_503 = arith.cmpi eq, %iota3A, %eq3A_502 : vector<256x1024xi32>
    %jit3A_504 = arith.constant 0x7F800000 : f32
    %broadcast_in_dim3A_505 = vector.broadcast %jit3A_504 : f32 to vector<256x1024xf32>
    %select_n3A_506 = arith.select %eq3A_503, %broadcast_in_dim3A_505, %select_n3A_492 : vector<256x1024xi1>, vector<256x1024xf32>
    %argmin3A_507 = tpu.reduce_index %select_n3A_499 {axis = 1 : i32, kind = #tpu.reduction_kind<arg_min>} : vector<256x1024xf32> -> vector<256xi32>
    %broadcast_in_dim3A_508 = vector.shape_cast %argmin3A_507 : vector<256xi32> to vector<256x1xi32>
    %eq3A_509 = vector.broadcast %broadcast_in_dim3A_508 : vector<256x1xi32> to vector<256x1024xi32>
    %eq3A_510 = arith.cmpi eq, %iota3A, %eq3A_509 : vector<256x1024xi32>
    %jit3A_511 = arith.constant 0x7F800000 : f32
    %broadcast_in_dim3A_512 = vector.broadcast %jit3A_511 : f32 to vector<256x1024xf32>
    %select_n3A_513 = arith.select %eq3A_510, %broadcast_in_dim3A_512, %select_n3A_499 : vector<256x1024xi1>, vector<256x1024xf32>
    %argmin3A_514 = tpu.reduce_index %select_n3A_506 {axis = 1 : i32, kind = #tpu.reduction_kind<arg_min>} : vector<256x1024xf32> -> vector<256xi32>
    %broadcast_in_dim3A_515 = vector.shape_cast %argmin3A_514 : vector<256xi32> to vector<256x1xi32>
    %eq3A_516 = vector.broadcast %broadcast_in_dim3A_515 : vector<256x1xi32> to vector<256x1024xi32>
    %eq3A_517 = arith.cmpi eq, %iota3A, %eq3A_516 : vector<256x1024xi32>
    %jit3A_518 = arith.constant 0x7F800000 : f32
    %broadcast_in_dim3A_519 = vector.broadcast %jit3A_518 : f32 to vector<256x1024xf32>
    %select_n3A_520 = arith.select %eq3A_517, %broadcast_in_dim3A_519, %select_n3A_506 : vector<256x1024xi1>, vector<256x1024xf32>
    %argmin3A_521 = tpu.reduce_index %select_n3A_513 {axis = 1 : i32, kind = #tpu.reduction_kind<arg_min>} : vector<256x1024xf32> -> vector<256xi32>
    %broadcast_in_dim3A_522 = vector.shape_cast %argmin3A_521 : vector<256xi32> to vector<256x1xi32>
    %eq3A_523 = vector.broadcast %broadcast_in_dim3A_522 : vector<256x1xi32> to vector<256x1024xi32>
    %eq3A_524 = arith.cmpi eq, %iota3A, %eq3A_523 : vector<256x1024xi32>
    %jit3A_525 = arith.constant 0x7F800000 : f32
    %broadcast_in_dim3A_526 = vector.broadcast %jit3A_525 : f32 to vector<256x1024xf32>
    %select_n3A_527 = arith.select %eq3A_524, %broadcast_in_dim3A_526, %select_n3A_513 : vector<256x1024xi1>, vector<256x1024xf32>
    %argmin3A_528 = tpu.reduce_index %select_n3A_520 {axis = 1 : i32, kind = #tpu.reduction_kind<arg_min>} : vector<256x1024xf32> -> vector<256xi32>
    %broadcast_in_dim3A_529 = vector.shape_cast %argmin3A_528 : vector<256xi32> to vector<256x1xi32>
    %eq3A_530 = vector.broadcast %broadcast_in_dim3A_529 : vector<256x1xi32> to vector<256x1024xi32>
    %eq3A_531 = arith.cmpi eq, %iota3A, %eq3A_530 : vector<256x1024xi32>
    %jit3A_532 = arith.constant 0x7F800000 : f32
    %broadcast_in_dim3A_533 = vector.broadcast %jit3A_532 : f32 to vector<256x1024xf32>
    %select_n3A_534 = arith.select %eq3A_531, %broadcast_in_dim3A_533, %select_n3A_520 : vector<256x1024xi1>, vector<256x1024xf32>
    %argmin3A_535 = tpu.reduce_index %select_n3A_527 {axis = 1 : i32, kind = #tpu.reduction_kind<arg_min>} : vector<256x1024xf32> -> vector<256xi32>
    %broadcast_in_dim3A_536 = vector.shape_cast %argmin3A_535 : vector<256xi32> to vector<256x1xi32>
    %eq3A_537 = vector.broadcast %broadcast_in_dim3A_536 : vector<256x1xi32> to vector<256x1024xi32>
    %eq3A_538 = arith.cmpi eq, %iota3A, %eq3A_537 : vector<256x1024xi32>
    %jit3A_539 = arith.constant 0x7F800000 : f32
    %broadcast_in_dim3A_540 = vector.broadcast %jit3A_539 : f32 to vector<256x1024xf32>
    %select_n3A_541 = arith.select %eq3A_538, %broadcast_in_dim3A_540, %select_n3A_527 : vector<256x1024xi1>, vector<256x1024xf32>
    %argmin3A_542 = tpu.reduce_index %select_n3A_534 {axis = 1 : i32, kind = #tpu.reduction_kind<arg_min>} : vector<256x1024xf32> -> vector<256xi32>
    %broadcast_in_dim3A_543 = vector.shape_cast %argmin3A_542 : vector<256xi32> to vector<256x1xi32>
    %eq3A_544 = vector.broadcast %broadcast_in_dim3A_543 : vector<256x1xi32> to vector<256x1024xi32>
    %eq3A_545 = arith.cmpi eq, %iota3A, %eq3A_544 : vector<256x1024xi32>
    %jit3A_546 = arith.constant 0x7F800000 : f32
    %broadcast_in_dim3A_547 = vector.broadcast %jit3A_546 : f32 to vector<256x1024xf32>
    %select_n3A_548 = arith.select %eq3A_545, %broadcast_in_dim3A_547, %select_n3A_534 : vector<256x1024xi1>, vector<256x1024xf32>
    %argmin3A_549 = tpu.reduce_index %select_n3A_541 {axis = 1 : i32, kind = #tpu.reduction_kind<arg_min>} : vector<256x1024xf32> -> vector<256xi32>
    %broadcast_in_dim3A_550 = vector.shape_cast %argmin3A_549 : vector<256xi32> to vector<256x1xi32>
    %eq3A_551 = vector.broadcast %broadcast_in_dim3A_550 : vector<256x1xi32> to vector<256x1024xi32>
    %eq3A_552 = arith.cmpi eq, %iota3A, %eq3A_551 : vector<256x1024xi32>
    %jit3A_553 = arith.constant 0x7F800000 : f32
    %broadcast_in_dim3A_554 = vector.broadcast %jit3A_553 : f32 to vector<256x1024xf32>
    %select_n3A_555 = arith.select %eq3A_552, %broadcast_in_dim3A_554, %select_n3A_541 : vector<256x1024xi1>, vector<256x1024xf32>
    %argmin3A_556 = tpu.reduce_index %select_n3A_548 {axis = 1 : i32, kind = #tpu.reduction_kind<arg_min>} : vector<256x1024xf32> -> vector<256xi32>
    %broadcast_in_dim3A_557 = vector.shape_cast %argmin3A_556 : vector<256xi32> to vector<256x1xi32>
    %eq3A_558 = vector.broadcast %broadcast_in_dim3A_557 : vector<256x1xi32> to vector<256x1024xi32>
    %eq3A_559 = arith.cmpi eq, %iota3A, %eq3A_558 : vector<256x1024xi32>
    %jit3A_560 = arith.constant 0x7F800000 : f32
    %broadcast_in_dim3A_561 = vector.broadcast %jit3A_560 : f32 to vector<256x1024xf32>
    %select_n3A_562 = arith.select %eq3A_559, %broadcast_in_dim3A_561, %select_n3A_548 : vector<256x1024xi1>, vector<256x1024xf32>
    %argmin3A_563 = tpu.reduce_index %select_n3A_555 {axis = 1 : i32, kind = #tpu.reduction_kind<arg_min>} : vector<256x1024xf32> -> vector<256xi32>
    %broadcast_in_dim3A_564 = vector.shape_cast %argmin3A_563 : vector<256xi32> to vector<256x1xi32>
    %eq3A_565 = vector.broadcast %broadcast_in_dim3A_564 : vector<256x1xi32> to vector<256x1024xi32>
    %eq3A_566 = arith.cmpi eq, %iota3A, %eq3A_565 : vector<256x1024xi32>
    %jit3A_567 = arith.constant 0x7F800000 : f32
    %broadcast_in_dim3A_568 = vector.broadcast %jit3A_567 : f32 to vector<256x1024xf32>
    %select_n3A_569 = arith.select %eq3A_566, %broadcast_in_dim3A_568, %select_n3A_555 : vector<256x1024xi1>, vector<256x1024xf32>
    %argmin3A_570 = tpu.reduce_index %select_n3A_562 {axis = 1 : i32, kind = #tpu.reduction_kind<arg_min>} : vector<256x1024xf32> -> vector<256xi32>
    %broadcast_in_dim3A_571 = vector.shape_cast %argmin3A_570 : vector<256xi32> to vector<256x1xi32>
    %eq3A_572 = vector.broadcast %broadcast_in_dim3A_571 : vector<256x1xi32> to vector<256x1024xi32>
    %eq3A_573 = arith.cmpi eq, %iota3A, %eq3A_572 : vector<256x1024xi32>
    %jit3A_574 = arith.constant 0x7F800000 : f32
    %broadcast_in_dim3A_575 = vector.broadcast %jit3A_574 : f32 to vector<256x1024xf32>
    %select_n3A_576 = arith.select %eq3A_573, %broadcast_in_dim3A_575, %select_n3A_562 : vector<256x1024xi1>, vector<256x1024xf32>
    %argmin3A_577 = tpu.reduce_index %select_n3A_569 {axis = 1 : i32, kind = #tpu.reduction_kind<arg_min>} : vector<256x1024xf32> -> vector<256xi32>
    %broadcast_in_dim3A_578 = vector.shape_cast %argmin3A_577 : vector<256xi32> to vector<256x1xi32>
    %eq3A_579 = vector.broadcast %broadcast_in_dim3A_578 : vector<256x1xi32> to vector<256x1024xi32>
    %eq3A_580 = arith.cmpi eq, %iota3A, %eq3A_579 : vector<256x1024xi32>
    %jit3A_581 = arith.constant 0x7F800000 : f32
    %broadcast_in_dim3A_582 = vector.broadcast %jit3A_581 : f32 to vector<256x1024xf32>
    %select_n3A_583 = arith.select %eq3A_580, %broadcast_in_dim3A_582, %select_n3A_569 : vector<256x1024xi1>, vector<256x1024xf32>
    %argmin3A_584 = tpu.reduce_index %select_n3A_576 {axis = 1 : i32, kind = #tpu.reduction_kind<arg_min>} : vector<256x1024xf32> -> vector<256xi32>
    %broadcast_in_dim3A_585 = vector.shape_cast %argmin3A_584 : vector<256xi32> to vector<256x1xi32>
    %eq3A_586 = vector.broadcast %broadcast_in_dim3A_585 : vector<256x1xi32> to vector<256x1024xi32>
    %eq3A_587 = arith.cmpi eq, %iota3A, %eq3A_586 : vector<256x1024xi32>
    %jit3A_588 = arith.constant 0x7F800000 : f32
    %broadcast_in_dim3A_589 = vector.broadcast %jit3A_588 : f32 to vector<256x1024xf32>
    %select_n3A_590 = arith.select %eq3A_587, %broadcast_in_dim3A_589, %select_n3A_576 : vector<256x1024xi1>, vector<256x1024xf32>
    %argmin3A_591 = tpu.reduce_index %select_n3A_583 {axis = 1 : i32, kind = #tpu.reduction_kind<arg_min>} : vector<256x1024xf32> -> vector<256xi32>
    %broadcast_in_dim3A_592 = vector.shape_cast %argmin3A_591 : vector<256xi32> to vector<256x1xi32>
    %eq3A_593 = vector.broadcast %broadcast_in_dim3A_592 : vector<256x1xi32> to vector<256x1024xi32>
    %eq3A_594 = arith.cmpi eq, %iota3A, %eq3A_593 : vector<256x1024xi32>
    %jit3A_595 = arith.constant 0x7F800000 : f32
    %broadcast_in_dim3A_596 = vector.broadcast %jit3A_595 : f32 to vector<256x1024xf32>
    %select_n3A_597 = arith.select %eq3A_594, %broadcast_in_dim3A_596, %select_n3A_583 : vector<256x1024xi1>, vector<256x1024xf32>
    %argmin3A_598 = tpu.reduce_index %select_n3A_590 {axis = 1 : i32, kind = #tpu.reduction_kind<arg_min>} : vector<256x1024xf32> -> vector<256xi32>
    %broadcast_in_dim3A_599 = vector.shape_cast %argmin3A_598 : vector<256xi32> to vector<256x1xi32>
    %eq3A_600 = vector.broadcast %broadcast_in_dim3A_599 : vector<256x1xi32> to vector<256x1024xi32>
    %eq3A_601 = arith.cmpi eq, %iota3A, %eq3A_600 : vector<256x1024xi32>
    %jit3A_602 = arith.constant 0x7F800000 : f32
    %broadcast_in_dim3A_603 = vector.broadcast %jit3A_602 : f32 to vector<256x1024xf32>
    %select_n3A_604 = arith.select %eq3A_601, %broadcast_in_dim3A_603, %select_n3A_590 : vector<256x1024xi1>, vector<256x1024xf32>
    %argmin3A_605 = tpu.reduce_index %select_n3A_597 {axis = 1 : i32, kind = #tpu.reduction_kind<arg_min>} : vector<256x1024xf32> -> vector<256xi32>
    %broadcast_in_dim3A_606 = vector.shape_cast %argmin3A_605 : vector<256xi32> to vector<256x1xi32>
    %eq3A_607 = vector.broadcast %broadcast_in_dim3A_606 : vector<256x1xi32> to vector<256x1024xi32>
    %eq3A_608 = arith.cmpi eq, %iota3A, %eq3A_607 : vector<256x1024xi32>
    %jit3A_609 = arith.constant 0x7F800000 : f32
    %broadcast_in_dim3A_610 = vector.broadcast %jit3A_609 : f32 to vector<256x1024xf32>
    %select_n3A_611 = arith.select %eq3A_608, %broadcast_in_dim3A_610, %select_n3A_597 : vector<256x1024xi1>, vector<256x1024xf32>
    %argmin3A_612 = tpu.reduce_index %select_n3A_604 {axis = 1 : i32, kind = #tpu.reduction_kind<arg_min>} : vector<256x1024xf32> -> vector<256xi32>
    %broadcast_in_dim3A_613 = vector.shape_cast %argmin3A_612 : vector<256xi32> to vector<256x1xi32>
    %eq3A_614 = vector.broadcast %broadcast_in_dim3A_613 : vector<256x1xi32> to vector<256x1024xi32>
    %eq3A_615 = arith.cmpi eq, %iota3A, %eq3A_614 : vector<256x1024xi32>
    %jit3A_616 = arith.constant 0x7F800000 : f32
    %broadcast_in_dim3A_617 = vector.broadcast %jit3A_616 : f32 to vector<256x1024xf32>
    %select_n3A_618 = arith.select %eq3A_615, %broadcast_in_dim3A_617, %select_n3A_604 : vector<256x1024xi1>, vector<256x1024xf32>
    %argmin3A_619 = tpu.reduce_index %select_n3A_611 {axis = 1 : i32, kind = #tpu.reduction_kind<arg_min>} : vector<256x1024xf32> -> vector<256xi32>
    %broadcast_in_dim3A_620 = vector.shape_cast %argmin3A_619 : vector<256xi32> to vector<256x1xi32>
    %eq3A_621 = vector.broadcast %broadcast_in_dim3A_620 : vector<256x1xi32> to vector<256x1024xi32>
    %eq3A_622 = arith.cmpi eq, %iota3A, %eq3A_621 : vector<256x1024xi32>
    %jit3A_623 = arith.constant 0x7F800000 : f32
    %broadcast_in_dim3A_624 = vector.broadcast %jit3A_623 : f32 to vector<256x1024xf32>
    %select_n3A_625 = arith.select %eq3A_622, %broadcast_in_dim3A_624, %select_n3A_611 : vector<256x1024xi1>, vector<256x1024xf32>
    %argmin3A_626 = tpu.reduce_index %select_n3A_618 {axis = 1 : i32, kind = #tpu.reduction_kind<arg_min>} : vector<256x1024xf32> -> vector<256xi32>
    %broadcast_in_dim3A_627 = vector.shape_cast %argmin3A_626 : vector<256xi32> to vector<256x1xi32>
    %eq3A_628 = vector.broadcast %broadcast_in_dim3A_627 : vector<256x1xi32> to vector<256x1024xi32>
    %eq3A_629 = arith.cmpi eq, %iota3A, %eq3A_628 : vector<256x1024xi32>
    %jit3A_630 = arith.constant 0x7F800000 : f32
    %broadcast_in_dim3A_631 = vector.broadcast %jit3A_630 : f32 to vector<256x1024xf32>
    %select_n3A_632 = arith.select %eq3A_629, %broadcast_in_dim3A_631, %select_n3A_618 : vector<256x1024xi1>, vector<256x1024xf32>
    %argmin3A_633 = tpu.reduce_index %select_n3A_625 {axis = 1 : i32, kind = #tpu.reduction_kind<arg_min>} : vector<256x1024xf32> -> vector<256xi32>
    %broadcast_in_dim3A_634 = vector.shape_cast %argmin3A_633 : vector<256xi32> to vector<256x1xi32>
    %eq3A_635 = vector.broadcast %broadcast_in_dim3A_634 : vector<256x1xi32> to vector<256x1024xi32>
    %eq3A_636 = arith.cmpi eq, %iota3A, %eq3A_635 : vector<256x1024xi32>
    %jit3A_637 = arith.constant 0x7F800000 : f32
    %broadcast_in_dim3A_638 = vector.broadcast %jit3A_637 : f32 to vector<256x1024xf32>
    %select_n3A_639 = arith.select %eq3A_636, %broadcast_in_dim3A_638, %select_n3A_625 : vector<256x1024xi1>, vector<256x1024xf32>
    %argmin3A_640 = tpu.reduce_index %select_n3A_632 {axis = 1 : i32, kind = #tpu.reduction_kind<arg_min>} : vector<256x1024xf32> -> vector<256xi32>
    %broadcast_in_dim3A_641 = vector.shape_cast %argmin3A_640 : vector<256xi32> to vector<256x1xi32>
    %eq3A_642 = vector.broadcast %broadcast_in_dim3A_641 : vector<256x1xi32> to vector<256x1024xi32>
    %eq3A_643 = arith.cmpi eq, %iota3A, %eq3A_642 : vector<256x1024xi32>
    %jit3A_644 = arith.constant 0x7F800000 : f32
    %broadcast_in_dim3A_645 = vector.broadcast %jit3A_644 : f32 to vector<256x1024xf32>
    %select_n3A_646 = arith.select %eq3A_643, %broadcast_in_dim3A_645, %select_n3A_632 : vector<256x1024xi1>, vector<256x1024xf32>
    %argmin3A_647 = tpu.reduce_index %select_n3A_639 {axis = 1 : i32, kind = #tpu.reduction_kind<arg_min>} : vector<256x1024xf32> -> vector<256xi32>
    %broadcast_in_dim3A_648 = vector.shape_cast %argmin3A_647 : vector<256xi32> to vector<256x1xi32>
    %eq3A_649 = vector.broadcast %broadcast_in_dim3A_648 : vector<256x1xi32> to vector<256x1024xi32>
    %eq3A_650 = arith.cmpi eq, %iota3A, %eq3A_649 : vector<256x1024xi32>
    %jit3A_651 = arith.constant 0x7F800000 : f32
    %broadcast_in_dim3A_652 = vector.broadcast %jit3A_651 : f32 to vector<256x1024xf32>
    %select_n3A_653 = arith.select %eq3A_650, %broadcast_in_dim3A_652, %select_n3A_639 : vector<256x1024xi1>, vector<256x1024xf32>
    %argmin3A_654 = tpu.reduce_index %select_n3A_646 {axis = 1 : i32, kind = #tpu.reduction_kind<arg_min>} : vector<256x1024xf32> -> vector<256xi32>
    %broadcast_in_dim3A_655 = vector.shape_cast %argmin3A_654 : vector<256xi32> to vector<256x1xi32>
    %eq3A_656 = vector.broadcast %broadcast_in_dim3A_655 : vector<256x1xi32> to vector<256x1024xi32>
    %eq3A_657 = arith.cmpi eq, %iota3A, %eq3A_656 : vector<256x1024xi32>
    %jit3A_658 = arith.constant 0x7F800000 : f32
    %broadcast_in_dim3A_659 = vector.broadcast %jit3A_658 : f32 to vector<256x1024xf32>
    %select_n3A_660 = arith.select %eq3A_657, %broadcast_in_dim3A_659, %select_n3A_646 : vector<256x1024xi1>, vector<256x1024xf32>
    %argmin3A_661 = tpu.reduce_index %select_n3A_653 {axis = 1 : i32, kind = #tpu.reduction_kind<arg_min>} : vector<256x1024xf32> -> vector<256xi32>
    %broadcast_in_dim3A_662 = vector.shape_cast %argmin3A_661 : vector<256xi32> to vector<256x1xi32>
    %eq3A_663 = vector.broadcast %broadcast_in_dim3A_662 : vector<256x1xi32> to vector<256x1024xi32>
    %eq3A_664 = arith.cmpi eq, %iota3A, %eq3A_663 : vector<256x1024xi32>
    %jit3A_665 = arith.constant 0x7F800000 : f32
    %broadcast_in_dim3A_666 = vector.broadcast %jit3A_665 : f32 to vector<256x1024xf32>
    %select_n3A_667 = arith.select %eq3A_664, %broadcast_in_dim3A_666, %select_n3A_653 : vector<256x1024xi1>, vector<256x1024xf32>
    %argmin3A_668 = tpu.reduce_index %select_n3A_660 {axis = 1 : i32, kind = #tpu.reduction_kind<arg_min>} : vector<256x1024xf32> -> vector<256xi32>
    %broadcast_in_dim3A_669 = vector.shape_cast %argmin3A_668 : vector<256xi32> to vector<256x1xi32>
    %eq3A_670 = vector.broadcast %broadcast_in_dim3A_669 : vector<256x1xi32> to vector<256x1024xi32>
    %eq3A_671 = arith.cmpi eq, %iota3A, %eq3A_670 : vector<256x1024xi32>
    %jit3A_672 = arith.constant 0x7F800000 : f32
    %broadcast_in_dim3A_673 = vector.broadcast %jit3A_672 : f32 to vector<256x1024xf32>
    %select_n3A_674 = arith.select %eq3A_671, %broadcast_in_dim3A_673, %select_n3A_660 : vector<256x1024xi1>, vector<256x1024xf32>
    %argmin3A_675 = tpu.reduce_index %select_n3A_667 {axis = 1 : i32, kind = #tpu.reduction_kind<arg_min>} : vector<256x1024xf32> -> vector<256xi32>
    %broadcast_in_dim3A_676 = vector.shape_cast %argmin3A_675 : vector<256xi32> to vector<256x1xi32>
    %eq3A_677 = vector.broadcast %broadcast_in_dim3A_676 : vector<256x1xi32> to vector<256x1024xi32>
    %eq3A_678 = arith.cmpi eq, %iota3A, %eq3A_677 : vector<256x1024xi32>
    %jit3A_679 = arith.constant 0x7F800000 : f32
    %broadcast_in_dim3A_680 = vector.broadcast %jit3A_679 : f32 to vector<256x1024xf32>
    %select_n3A_681 = arith.select %eq3A_678, %broadcast_in_dim3A_680, %select_n3A_667 : vector<256x1024xi1>, vector<256x1024xf32>
    %argmin3A_682 = tpu.reduce_index %select_n3A_674 {axis = 1 : i32, kind = #tpu.reduction_kind<arg_min>} : vector<256x1024xf32> -> vector<256xi32>
    %broadcast_in_dim3A_683 = vector.shape_cast %argmin3A_682 : vector<256xi32> to vector<256x1xi32>
    %eq3A_684 = vector.broadcast %broadcast_in_dim3A_683 : vector<256x1xi32> to vector<256x1024xi32>
    %eq3A_685 = arith.cmpi eq, %iota3A, %eq3A_684 : vector<256x1024xi32>
    %jit3A_686 = arith.constant 0x7F800000 : f32
    %broadcast_in_dim3A_687 = vector.broadcast %jit3A_686 : f32 to vector<256x1024xf32>
    %select_n3A_688 = arith.select %eq3A_685, %broadcast_in_dim3A_687, %select_n3A_674 : vector<256x1024xi1>, vector<256x1024xf32>
    %argmin3A_689 = tpu.reduce_index %select_n3A_681 {axis = 1 : i32, kind = #tpu.reduction_kind<arg_min>} : vector<256x1024xf32> -> vector<256xi32>
    %broadcast_in_dim3A_690 = vector.shape_cast %argmin3A_689 : vector<256xi32> to vector<256x1xi32>
    %eq3A_691 = vector.broadcast %broadcast_in_dim3A_690 : vector<256x1xi32> to vector<256x1024xi32>
    %eq3A_692 = arith.cmpi eq, %iota3A, %eq3A_691 : vector<256x1024xi32>
    %jit3A_693 = arith.constant 0x7F800000 : f32
    %broadcast_in_dim3A_694 = vector.broadcast %jit3A_693 : f32 to vector<256x1024xf32>
    %select_n3A_695 = arith.select %eq3A_692, %broadcast_in_dim3A_694, %select_n3A_681 : vector<256x1024xi1>, vector<256x1024xf32>
    %argmin3A_696 = tpu.reduce_index %select_n3A_688 {axis = 1 : i32, kind = #tpu.reduction_kind<arg_min>} : vector<256x1024xf32> -> vector<256xi32>
    %broadcast_in_dim3A_697 = vector.shape_cast %argmin3A_696 : vector<256xi32> to vector<256x1xi32>
    %eq3A_698 = vector.broadcast %broadcast_in_dim3A_697 : vector<256x1xi32> to vector<256x1024xi32>
    %eq3A_699 = arith.cmpi eq, %iota3A, %eq3A_698 : vector<256x1024xi32>
    %jit3A_700 = arith.constant 0x7F800000 : f32
    %broadcast_in_dim3A_701 = vector.broadcast %jit3A_700 : f32 to vector<256x1024xf32>
    %select_n3A_702 = arith.select %eq3A_699, %broadcast_in_dim3A_701, %select_n3A_688 : vector<256x1024xi1>, vector<256x1024xf32>
    %argmin3A_703 = tpu.reduce_index %select_n3A_695 {axis = 1 : i32, kind = #tpu.reduction_kind<arg_min>} : vector<256x1024xf32> -> vector<256xi32>
    %broadcast_in_dim3A_704 = vector.shape_cast %argmin3A_703 : vector<256xi32> to vector<256x1xi32>
    %eq3A_705 = vector.broadcast %broadcast_in_dim3A_704 : vector<256x1xi32> to vector<256x1024xi32>
    %eq3A_706 = arith.cmpi eq, %iota3A, %eq3A_705 : vector<256x1024xi32>
    %jit3A_707 = arith.constant 0x7F800000 : f32
    %broadcast_in_dim3A_708 = vector.broadcast %jit3A_707 : f32 to vector<256x1024xf32>
    %select_n3A_709 = arith.select %eq3A_706, %broadcast_in_dim3A_708, %select_n3A_695 : vector<256x1024xi1>, vector<256x1024xf32>
    %argmin3A_710 = tpu.reduce_index %select_n3A_702 {axis = 1 : i32, kind = #tpu.reduction_kind<arg_min>} : vector<256x1024xf32> -> vector<256xi32>
    %broadcast_in_dim3A_711 = vector.shape_cast %argmin3A_710 : vector<256xi32> to vector<256x1xi32>
    %eq3A_712 = vector.broadcast %broadcast_in_dim3A_711 : vector<256x1xi32> to vector<256x1024xi32>
    %eq3A_713 = arith.cmpi eq, %iota3A, %eq3A_712 : vector<256x1024xi32>
    %jit3A_714 = arith.constant 0x7F800000 : f32
    %broadcast_in_dim3A_715 = vector.broadcast %jit3A_714 : f32 to vector<256x1024xf32>
    %select_n3A_716 = arith.select %eq3A_713, %broadcast_in_dim3A_715, %select_n3A_702 : vector<256x1024xi1>, vector<256x1024xf32>
    %argmin3A_717 = tpu.reduce_index %select_n3A_709 {axis = 1 : i32, kind = #tpu.reduction_kind<arg_min>} : vector<256x1024xf32> -> vector<256xi32>
    %broadcast_in_dim3A_718 = vector.shape_cast %argmin3A_717 : vector<256xi32> to vector<256x1xi32>
    %argmin3A_719 = tpu.reduce_index %select_n3A_716 {axis = 1 : i32, kind = #tpu.reduction_kind<arg_min>} : vector<256x1024xf32> -> vector<256xi32>
    %broadcast_in_dim3A_720 = vector.shape_cast %argmin3A_719 : vector<256xi32> to vector<256x1xi32>
    %concatenate3A = tpu.concatenate %broadcast_in_dim3A, %broadcast_in_dim3A_74, %broadcast_in_dim3A_88, %broadcast_in_dim3A_102, %broadcast_in_dim3A_116, %broadcast_in_dim3A_130, %broadcast_in_dim3A_144, %broadcast_in_dim3A_158, %broadcast_in_dim3A_172, %broadcast_in_dim3A_186, %broadcast_in_dim3A_200, %broadcast_in_dim3A_214, %broadcast_in_dim3A_228, %broadcast_in_dim3A_242, %broadcast_in_dim3A_256, %broadcast_in_dim3A_270, %broadcast_in_dim3A_284, %broadcast_in_dim3A_298, %broadcast_in_dim3A_312, %broadcast_in_dim3A_326, %broadcast_in_dim3A_340, %broadcast_in_dim3A_354, %broadcast_in_dim3A_368, %broadcast_in_dim3A_382, %broadcast_in_dim3A_396, %broadcast_in_dim3A_410, %broadcast_in_dim3A_424, %broadcast_in_dim3A_438, %broadcast_in_dim3A_452, %broadcast_in_dim3A_466, %broadcast_in_dim3A_480, %broadcast_in_dim3A_494, %broadcast_in_dim3A_508, %broadcast_in_dim3A_522, %broadcast_in_dim3A_536, %broadcast_in_dim3A_550, %broadcast_in_dim3A_564, %broadcast_in_dim3A_578, %broadcast_in_dim3A_592, %broadcast_in_dim3A_606, %broadcast_in_dim3A_620, %broadcast_in_dim3A_634, %broadcast_in_dim3A_648, %broadcast_in_dim3A_662, %broadcast_in_dim3A_676, %broadcast_in_dim3A_690, %broadcast_in_dim3A_704, %broadcast_in_dim3A_718 in 1 : vector<256x1xi32>, vector<256x1xi32>, vector<256x1xi32>, vector<256x1xi32>, vector<256x1xi32>, vector<256x1xi32>, vector<256x1xi32>, vector<256x1xi32>, vector<256x1xi32>, vector<256x1xi32>, vector<256x1xi32>, vector<256x1xi32>, vector<256x1xi32>, vector<256x1xi32>, vector<256x1xi32>, vector<256x1xi32>, vector<256x1xi32>, vector<256x1xi32>, vector<256x1xi32>, vector<256x1xi32>, vector<256x1xi32>, vector<256x1xi32>, vector<256x1xi32>, vector<256x1xi32>, vector<256x1xi32>, vector<256x1xi32>, vector<256x1xi32>, vector<256x1xi32>, vector<256x1xi32>, vector<256x1xi32>, vector<256x1xi32>, vector<256x1xi32>, vector<256x1xi32>, vector<256x1xi32>, vector<256x1xi32>, vector<256x1xi32>, vector<256x1xi32>, vector<256x1xi32>, vector<256x1xi32>, vector<256x1xi32>, vector<256x1xi32>, vector<256x1xi32>, vector<256x1xi32>, vector<256x1xi32>, vector<256x1xi32>, vector<256x1xi32>, vector<256x1xi32>, vector<256x1xi32> -> vector<256x48xi32>
    %concatenate3A_721 = tpu.concatenate %broadcast_in_dim3A_67, %broadcast_in_dim3A_81, %broadcast_in_dim3A_95, %broadcast_in_dim3A_109, %broadcast_in_dim3A_123, %broadcast_in_dim3A_137, %broadcast_in_dim3A_151, %broadcast_in_dim3A_165, %broadcast_in_dim3A_179, %broadcast_in_dim3A_193, %broadcast_in_dim3A_207, %broadcast_in_dim3A_221, %broadcast_in_dim3A_235, %broadcast_in_dim3A_249, %broadcast_in_dim3A_263, %broadcast_in_dim3A_277, %broadcast_in_dim3A_291, %broadcast_in_dim3A_305, %broadcast_in_dim3A_319, %broadcast_in_dim3A_333, %broadcast_in_dim3A_347, %broadcast_in_dim3A_361, %broadcast_in_dim3A_375, %broadcast_in_dim3A_389, %broadcast_in_dim3A_403, %broadcast_in_dim3A_417, %broadcast_in_dim3A_431, %broadcast_in_dim3A_445, %broadcast_in_dim3A_459, %broadcast_in_dim3A_473, %broadcast_in_dim3A_487, %broadcast_in_dim3A_501, %broadcast_in_dim3A_515, %broadcast_in_dim3A_529, %broadcast_in_dim3A_543, %broadcast_in_dim3A_557, %broadcast_in_dim3A_571, %broadcast_in_dim3A_585, %broadcast_in_dim3A_599, %broadcast_in_dim3A_613, %broadcast_in_dim3A_627, %broadcast_in_dim3A_641, %broadcast_in_dim3A_655, %broadcast_in_dim3A_669, %broadcast_in_dim3A_683, %broadcast_in_dim3A_697, %broadcast_in_dim3A_711, %broadcast_in_dim3A_720 in 1 : vector<256x1xi32>, vector<256x1xi32>, vector<256x1xi32>, vector<256x1xi32>, vector<256x1xi32>, vector<256x1xi32>, vector<256x1xi32>, vector<256x1xi32>, vector<256x1xi32>, vector<256x1xi32>, vector<256x1xi32>, vector<256x1xi32>, vector<256x1xi32>, vector<256x1xi32>, vector<256x1xi32>, vector<256x1xi32>, vector<256x1xi32>, vector<256x1xi32>, vector<256x1xi32>, vector<256x1xi32>, vector<256x1xi32>, vector<256x1xi32>, vector<256x1xi32>, vector<256x1xi32>, vector<256x1xi32>, vector<256x1xi32>, vector<256x1xi32>, vector<256x1xi32>, vector<256x1xi32>, vector<256x1xi32>, vector<256x1xi32>, vector<256x1xi32>, vector<256x1xi32>, vector<256x1xi32>, vector<256x1xi32>, vector<256x1xi32>, vector<256x1xi32>, vector<256x1xi32>, vector<256x1xi32>, vector<256x1xi32>, vector<256x1xi32>, vector<256x1xi32>, vector<256x1xi32>, vector<256x1xi32>, vector<256x1xi32>, vector<256x1xi32>, vector<256x1xi32>, vector<256x1xi32> -> vector<256x48xi32>
    %concatenate3A_722 = tpu.concatenate %concatenate3A, %concatenate3A_721 in 0 : vector<256x48xi32>, vector<256x48xi32> -> vector<512x48xi32>
    %swap3A = arith.constant 0 : index
    %swap3A_723 = arith.constant 0 : index
    %swap3A_724 = vector.load %arg4[%swap3A, %swap3A_723] : memref<512x48xi32, #tpu.memory_space<vmem>>, vector<512x48xi32>
    tpu.vector_store %arg4[%swap3A, %swap3A_723], %concatenate3A_722 {strides = array<i32>} : memref<512x48xi32, #tpu.memory_space<vmem>>, vector<512x48xi32>,
    %mul3A_725 = arith.constant 1024 : i32
    %mul3A_726 = arith.muli %arg0, %mul3A_725 : i32
    %add3A_727 = vector.broadcast %mul3A_726 : i32 to vector<512x48xi32>
    %add3A_728 = arith.addi %concatenate3A_722, %add3A_727 : vector<512x48xi32>
    %swap3A_729 = arith.constant 0 : index
    %swap3A_730 = arith.constant 0 : index
    %swap3A_731 = vector.load %arg5[%swap3A_729, %swap3A_730] : memref<512x48xi32, #tpu.memory_space<vmem>>, vector<512x48xi32>
    tpu.vector_store %arg5[%swap3A_729, %swap3A_730], %add3A_728 {strides = array<i32>} : memref<512x48xi32, #tpu.memory_space<vmem>>, vector<512x48xi32>,
    %mul3A_732 = arith.constant 512 : i32
    %mul3A_733 = arith.muli %arg1, %mul3A_732 : i32
    %iota3A_734 = tpu.iota {dimensions = array<i32: 0>} : vector<512x48xi32>
    %add3A_735 = vector.broadcast %mul3A_733 : i32 to vector<512x48xi32>
    %add3A_736 = arith.addi %add3A_735, %iota3A_734 : vector<512x48xi32>
    %sub3A_737 = arith.subi %add3A_736, %concatenate3A_722 : vector<512x48xi32>
    %add3A_738 = arith.constant 32 : i32
    %add3A_739 = vector.broadcast %add3A_738 : i32 to vector<512x48xi32>
    %add3A_740 = arith.addi %sub3A_737, %add3A_739 : vector<512x48xi32>
    %jit3A_741 = arith.constant 0 : i32
    %jit3A_742 = arith.constant 64 : i32
    %max3A = vector.broadcast %jit3A_741 : i32 to vector<512x48xi32>
    %max3A_743 = arith.maxsi %max3A, %add3A_740 : vector<512x48xi32>
    %min3A = vector.broadcast %jit3A_742 : i32 to vector<512x48xi32>
    %min3A_744 = arith.minsi %min3A, %max3A_743 : vector<512x48xi32>
    %convert_element_type3A = arith.sitofp %min3A_744 : vector<512x48xi32> to vector<512x48xf32>
    %swap3A_745 = arith.constant 0 : index
    %swap3A_746 = arith.constant 0 : index
    %swap3A_747 = vector.load %arg6[%swap3A_745, %swap3A_746] : memref<512x48xf32, #tpu.memory_space<vmem>>, vector<512x48xf32>
    tpu.vector_store %arg6[%swap3A_745, %swap3A_746], %convert_element_type3A {strides = array<i32>} : memref<512x48xf32, #tpu.memory_space<vmem>>, vector<512x48xf32>,
    return
  }
  func.func @transform_0(%arg0: i32, %arg1: i32) -> (i32, i32) {
    %mul3A = arith.constant 2 : i32
    %mul3A_0 = arith.muli %arg0, %mul3A : i32
    %add3A = arith.addi %mul3A_0, %arg1 : i32
    %c0_i32 = arith.constant 0 : i32
    %c0_i32_1 = arith.constant 0 : i32
    return %add3A, %c0_i32 : i32, i32
  }
  func.func @transform_1(%arg0: i32, %arg1: i32) -> (i32, i32, i32) {
    %c0_i32 = arith.constant 0 : i32
    %c0_i32_0 = arith.constant 0 : i32
    %c0_i32_1 = arith.constant 0 : i32
    return %arg0, %c0_i32, %c0_i32_0 : i32, i32, i32
  }
  func.func @transform_2(%arg0: i32, %arg1: i32) -> (i32, i32) {
    %mul3A = arith.constant 2 : i32
    %mul3A_0 = arith.muli %arg0, %mul3A : i32
    %add3A = arith.addi %mul3A_0, %arg1 : i32
    %c0_i32 = arith.constant 0 : i32
    %c0_i32_1 = arith.constant 0 : i32
    return %add3A, %c0_i32 : i32, i32
  }
  func.func @transform_3(%arg0: i32, %arg1: i32) -> (i32, i32) {
    %mul3A = arith.constant 2 : i32
    %mul3A_0 = arith.muli %arg0, %mul3A : i32
    %add3A = arith.addi %mul3A_0, %arg1 : i32
    %c0_i32 = arith.constant 0 : i32
    %c0_i32_1 = arith.constant 0 : i32
    return %add3A, %c0_i32 : i32, i32
  }
  func.func @transform_4(%arg0: i32, %arg1: i32) -> (i32, i32) {
    %mul3A = arith.constant 2 : i32
    %mul3A_0 = arith.muli %arg0, %mul3A : i32
    %add3A = arith.addi %mul3A_0, %arg1 : i32
    %c0_i32 = arith.constant 0 : i32
    %c0_i32_1 = arith.constant 0 : i32
    return %add3A, %c0_i32 : i32, i32
  }
}

module attributes {stable_mosaic.version = 14 : i64} {
  func.func @_feat_body(%arg0: i32, %arg1: memref<64x16xf32, #tpu.memory_space<vmem>>, %arg2: memref<3072x16xf32, #tpu.memory_space<vmem>>, %arg3: memref<3072x1xf32, #tpu.memory_space<vmem>>, %arg4: memref<3072x64xf32, #tpu.memory_space<vmem>>, %arg5: memref<16x75xf32, #tpu.memory_space<vmem>>, %arg6: memref<16x75xf32, #tpu.memory_space<vmem>>, %arg7: memref<75x25xf32, #tpu.memory_space<vmem>>, %arg8: memref<25x400xf32, #tpu.memory_space<vmem>>, %arg9: memref<1x400xf32, #tpu.memory_space<vmem>>, %arg10: memref<1x66xf32, #tpu.memory_space<vmem>>, %arg11: memref<66x128xf32, #tpu.memory_space<vmem>>, %arg12: memref<400x128xf32, #tpu.memory_space<vmem>>, %arg13: memref<1x128xf32, #tpu.memory_space<vmem>>, %arg14: memref<1x128xf32, #tpu.memory_space<vmem>>, %arg15: memref<1x128xf32, #tpu.memory_space<vmem>>, %arg16: memref<3072x128xf32, #tpu.memory_space<vmem>>) attributes {dimension_semantics = [#tpu.dimension_semantics<arbitrary>], iteration_bounds = array<i64: 32>, scalar_prefetch = 0 : i64, scratch_operands = 0 : i64, tpu.core_type = #tpu.core_type<tc>, window_params = [{transform_indices = @transform_0, window_bounds = array<i64: 64, 16>}, {transform_indices = @transform_1, window_bounds = array<i64: 3072, 16>}, {transform_indices = @transform_2, window_bounds = array<i64: 3072, 1>}, {pipeline_mode = #tpu.pipeline_mode<synchronous>, transform_indices = @transform_3, window_bounds = array<i64: 3072, 64>}, {pipeline_mode = #tpu.pipeline_mode<synchronous>, transform_indices = @transform_4, window_bounds = array<i64: 16, 75>}, {pipeline_mode = #tpu.pipeline_mode<synchronous>, transform_indices = @transform_5, window_bounds = array<i64: 16, 75>}, {pipeline_mode = #tpu.pipeline_mode<synchronous>, transform_indices = @transform_6, window_bounds = array<i64: 75, 25>}, {pipeline_mode = #tpu.pipeline_mode<synchronous>, transform_indices = @transform_7, window_bounds = array<i64: 25, 400>}, {pipeline_mode = #tpu.pipeline_mode<synchronous>, transform_indices = @transform_8, window_bounds = array<i64: 1, 400>}, {pipeline_mode = #tpu.pipeline_mode<synchronous>, transform_indices = @transform_9, window_bounds = array<i64: 1, 66>}, {pipeline_mode = #tpu.pipeline_mode<synchronous>, transform_indices = @transform_10, window_bounds = array<i64: 66, 128>}, {pipeline_mode = #tpu.pipeline_mode<synchronous>, transform_indices = @transform_11, window_bounds = array<i64: 400, 128>}, {pipeline_mode = #tpu.pipeline_mode<synchronous>, transform_indices = @transform_12, window_bounds = array<i64: 1, 128>}, {pipeline_mode = #tpu.pipeline_mode<synchronous>, transform_indices = @transform_13, window_bounds = array<i64: 1, 128>}, {pipeline_mode = #tpu.pipeline_mode<synchronous>, transform_indices = @transform_14, window_bounds = array<i64: 1, 128>}, {transform_indices = @transform_15, window_bounds = array<i64: 3072, 128>}]} {
    %get3A = arith.constant 0 : index
    %get3A_0 = arith.constant 0 : index
    %get3A_1 = vector.load %arg1[%get3A, %get3A_0] : memref<64x16xf32, #tpu.memory_space<vmem>>, vector<64x16xf32>
    %get3A_2 = arith.constant 0 : index
    %get3A_3 = arith.constant 0 : index
    %get3A_4 = vector.load %arg2[%get3A_2, %get3A_3] : memref<3072x16xf32, #tpu.memory_space<vmem>>, vector<3072x16xf32>
    %get3A_5 = arith.constant 0 : index
    %get3A_6 = arith.constant 0 : index
    %get3A_7 = vector.load %arg4[%get3A_5, %get3A_6] : memref<3072x64xf32, #tpu.memory_space<vmem>>, vector<3072x64xf32>
    %dot_general3A = arith.constant dense<0.000000e+00> : vector<3072x16xf32>
    %dot_general3A_8 = tpu.matmul %get3A_7, %get3A_1, %dot_general3A {dimension_numbers = #tpu.dot_dimension_numbers<[1], [0], [0], [1], [0, 0, 1, 1], [], []>, transpose_lhs_hint = false} : vector<3072x64xf32>, vector<64x16xf32>, vector<3072x16xf32> -> vector<3072x16xf32>
    %get3A_9 = arith.constant 0 : index
    %get3A_10 = arith.constant 0 : index
    %get3A_11 = vector.load %arg5[%get3A_9, %get3A_10] : memref<16x75xf32, #tpu.memory_space<vmem>>, vector<16x75xf32>
    %dot_general3A_12 = arith.constant dense<0.000000e+00> : vector<3072x75xf32>
    %dot_general3A_13 = tpu.matmul %dot_general3A_8, %get3A_11, %dot_general3A_12 {dimension_numbers = #tpu.dot_dimension_numbers<[1], [0], [0], [1], [0, 0, 1, 1], [], []>, transpose_lhs_hint = false} : vector<3072x16xf32>, vector<16x75xf32>, vector<3072x75xf32> -> vector<3072x75xf32>
    %get3A_14 = arith.constant 0 : index
    %get3A_15 = arith.constant 0 : index
    %get3A_16 = vector.load %arg6[%get3A_14, %get3A_15] : memref<16x75xf32, #tpu.memory_space<vmem>>, vector<16x75xf32>
    %dot_general3A_17 = arith.constant dense<0.000000e+00> : vector<3072x75xf32>
    %dot_general3A_18 = tpu.matmul %get3A_4, %get3A_16, %dot_general3A_17 {dimension_numbers = #tpu.dot_dimension_numbers<[1], [0], [0], [1], [0, 0, 1, 1], [], []>, transpose_lhs_hint = false} : vector<3072x16xf32>, vector<16x75xf32>, vector<3072x75xf32> -> vector<3072x75xf32>
    %sub3A = arith.subf %dot_general3A_13, %dot_general3A_18 : vector<3072x75xf32>
    %mul3A = arith.mulf %sub3A, %sub3A : vector<3072x75xf32>
    %get3A_19 = arith.constant 0 : index
    %get3A_20 = arith.constant 0 : index
    %get3A_21 = vector.load %arg7[%get3A_19, %get3A_20] : memref<75x25xf32, #tpu.memory_space<vmem>>, vector<75x25xf32>
    %dot_general3A_22 = arith.constant dense<0.000000e+00> : vector<3072x25xf32>
    %dot_general3A_23 = tpu.matmul %mul3A, %get3A_21, %dot_general3A_22 {dimension_numbers = #tpu.dot_dimension_numbers<[1], [0], [0], [1], [0, 0, 1, 1], [], []>, transpose_lhs_hint = false} : vector<3072x75xf32>, vector<75x25xf32>, vector<3072x25xf32> -> vector<3072x25xf32>
    %add3A = arith.constant 9.99999997E-7 : f32
    %add3A_24 = vector.broadcast %add3A : f32 to vector<3072x25xf32>
    %add3A_25 = arith.addf %dot_general3A_23, %add3A_24 : vector<3072x25xf32>
    %sqrt3A = math.sqrt %add3A_25 : vector<3072x25xf32>
    %get3A_26 = arith.constant 0 : index
    %get3A_27 = arith.constant 0 : index
    %get3A_28 = vector.load %arg8[%get3A_26, %get3A_27] : memref<25x400xf32, #tpu.memory_space<vmem>>, vector<25x400xf32>
    %dot_general3A_29 = arith.constant dense<0.000000e+00> : vector<3072x400xf32>
    %dot_general3A_30 = tpu.matmul %sqrt3A, %get3A_28, %dot_general3A_29 {dimension_numbers = #tpu.dot_dimension_numbers<[1], [0], [0], [1], [0, 0, 1, 1], [], []>, transpose_lhs_hint = false} : vector<3072x25xf32>, vector<25x400xf32>, vector<3072x400xf32> -> vector<3072x400xf32>
    %get3A_31 = arith.constant 0 : index
    %get3A_32 = arith.constant 0 : index
    %get3A_33 = vector.load %arg9[%get3A_31, %get3A_32] : memref<1x400xf32, #tpu.memory_space<vmem>>, vector<1x400xf32>
    %sub3A_34 = vector.broadcast %get3A_33 : vector<1x400xf32> to vector<3072x400xf32>
    %sub3A_35 = arith.subf %dot_general3A_30, %sub3A_34 : vector<3072x400xf32>
    %div3A = arith.constant 1.250000e+00 : f32
    %div3A_36 = vector.broadcast %div3A : f32 to vector<3072x400xf32>
    %div3A_37 = arith.divf %sub3A_35, %div3A_36 : vector<3072x400xf32>
    %integer_pow3A = arith.mulf %div3A_37, %div3A_37 : vector<3072x400xf32>
    %neg3A = arith.constant 0.000000e+00 : f32
    %neg3A_38 = vector.broadcast %neg3A : f32 to vector<3072x400xf32>
    %neg3A_39 = arith.subf %neg3A_38, %integer_pow3A : vector<3072x400xf32>
    %exp3A = math.exp %neg3A_39 : vector<3072x400xf32>
    %get3A_40 = arith.constant 0 : index
    %get3A_41 = arith.constant 0 : index
    %get3A_42 = vector.load %arg3[%get3A_40, %get3A_41] : memref<3072x1xf32, #tpu.memory_space<vmem>>, vector<3072x1xf32>
    %get3A_43 = arith.constant 0 : index
    %get3A_44 = arith.constant 0 : index
    %get3A_45 = vector.load %arg10[%get3A_43, %get3A_44] : memref<1x66xf32, #tpu.memory_space<vmem>>, vector<1x66xf32>
    %eq3A = vector.broadcast %get3A_42 : vector<3072x1xf32> to vector<3072x66xf32>
    %eq3A_46 = vector.broadcast %get3A_45 : vector<1x66xf32> to vector<3072x66xf32>
    %eq3A_47 = arith.cmpf oeq, %eq3A, %eq3A_46 : vector<3072x66xf32>
    %jit3A = arith.constant 1.000000e+00 : f32
    %jit3A_48 = arith.constant 0.000000e+00 : f32
    %broadcast_in_dim3A = vector.broadcast %jit3A : f32 to vector<3072x66xf32>
    %broadcast_in_dim3A_49 = vector.broadcast %jit3A_48 : f32 to vector<3072x66xf32>
    %select_n3A = arith.select %eq3A_47, %broadcast_in_dim3A, %broadcast_in_dim3A_49 : vector<3072x66xi1>, vector<3072x66xf32>
    %get3A_50 = arith.constant 0 : index
    %get3A_51 = arith.constant 0 : index
    %get3A_52 = vector.load %arg11[%get3A_50, %get3A_51] : memref<66x128xf32, #tpu.memory_space<vmem>>, vector<66x128xf32>
    %dot_general3A_53 = arith.constant dense<0.000000e+00> : vector<3072x128xf32>
    %dot_general3A_54 = tpu.matmul %select_n3A, %get3A_52, %dot_general3A_53 {dimension_numbers = #tpu.dot_dimension_numbers<[1], [0], [0], [1], [0, 0, 1, 1], [], []>, transpose_lhs_hint = false} : vector<3072x66xf32>, vector<66x128xf32>, vector<3072x128xf32> -> vector<3072x128xf32>
    %get3A_55 = arith.constant 0 : index
    %get3A_56 = arith.constant 0 : index
    %get3A_57 = vector.load %arg12[%get3A_55, %get3A_56] : memref<400x128xf32, #tpu.memory_space<vmem>>, vector<400x128xf32>
    %dot_general3A_58 = arith.constant dense<0.000000e+00> : vector<3072x128xf32>
    %dot_general3A_59 = tpu.matmul %exp3A, %get3A_57, %dot_general3A_58 {dimension_numbers = #tpu.dot_dimension_numbers<[1], [0], [0], [1], [0, 0, 1, 1], [], []>, transpose_lhs_hint = false} : vector<3072x400xf32>, vector<400x128xf32>, vector<3072x128xf32> -> vector<3072x128xf32>
    %add3A_60 = arith.addf %dot_general3A_54, %dot_general3A_59 : vector<3072x128xf32>
    %get3A_61 = arith.constant 0 : index
    %get3A_62 = arith.constant 0 : index
    %get3A_63 = vector.load %arg13[%get3A_61, %get3A_62] : memref<1x128xf32, #tpu.memory_space<vmem>>, vector<1x128xf32>
    %add3A_64 = vector.broadcast %get3A_63 : vector<1x128xf32> to vector<3072x128xf32>
    %add3A_65 = arith.addf %add3A_60, %add3A_64 : vector<3072x128xf32>
    %reduce_sum3A = arith.constant dense<0.000000e+00> : vector<3072xf32>
    %reduce_sum3A_66 = vector.multi_reduction <add>, %add3A_65, %reduce_sum3A [1] : vector<3072x128xf32> to vector<3072xf32>
    %broadcast_in_dim3A_67 = vector.shape_cast %reduce_sum3A_66 : vector<3072xf32> to vector<3072x1xf32>
    %div3A_68 = arith.constant 1.280000e+02 : f32
    %div3A_69 = vector.broadcast %div3A_68 : f32 to vector<3072x1xf32>
    %div3A_70 = arith.divf %broadcast_in_dim3A_67, %div3A_69 : vector<3072x1xf32>
    %sub3A_71 = vector.broadcast %div3A_70 : vector<3072x1xf32> to vector<3072x128xf32>
    %sub3A_72 = arith.subf %add3A_65, %sub3A_71 : vector<3072x128xf32>
    %mul3A_73 = arith.mulf %sub3A_72, %sub3A_72 : vector<3072x128xf32>
    %reduce_sum3A_74 = arith.constant dense<0.000000e+00> : vector<3072xf32>
    %reduce_sum3A_75 = vector.multi_reduction <add>, %mul3A_73, %reduce_sum3A_74 [1] : vector<3072x128xf32> to vector<3072xf32>
    %broadcast_in_dim3A_76 = vector.shape_cast %reduce_sum3A_75 : vector<3072xf32> to vector<3072x1xf32>
    %div3A_77 = arith.constant 1.280000e+02 : f32
    %div3A_78 = vector.broadcast %div3A_77 : f32 to vector<3072x1xf32>
    %div3A_79 = arith.divf %broadcast_in_dim3A_76, %div3A_78 : vector<3072x1xf32>
    %add3A_80 = arith.constant 9.99999974E-6 : f32
    %add3A_81 = vector.broadcast %add3A_80 : f32 to vector<3072x1xf32>
    %add3A_82 = arith.addf %div3A_79, %add3A_81 : vector<3072x1xf32>
    %rsqrt3A = math.rsqrt %add3A_82 : vector<3072x1xf32>
    %mul3A_83 = vector.broadcast %rsqrt3A : vector<3072x1xf32> to vector<3072x128xf32>
    %mul3A_84 = arith.mulf %sub3A_72, %mul3A_83 : vector<3072x128xf32>
    %get3A_85 = arith.constant 0 : index
    %get3A_86 = arith.constant 0 : index
    %get3A_87 = vector.load %arg14[%get3A_85, %get3A_86] : memref<1x128xf32, #tpu.memory_space<vmem>>, vector<1x128xf32>
    %mul3A_88 = vector.broadcast %get3A_87 : vector<1x128xf32> to vector<3072x128xf32>
    %mul3A_89 = arith.mulf %mul3A_84, %mul3A_88 : vector<3072x128xf32>
    %get3A_90 = arith.constant 0 : index
    %get3A_91 = arith.constant 0 : index
    %get3A_92 = vector.load %arg15[%get3A_90, %get3A_91] : memref<1x128xf32, #tpu.memory_space<vmem>>, vector<1x128xf32>
    %add3A_93 = vector.broadcast %get3A_92 : vector<1x128xf32> to vector<3072x128xf32>
    %add3A_94 = arith.addf %mul3A_89, %add3A_93 : vector<3072x128xf32>
    %swap3A = arith.constant 0 : index
    %swap3A_95 = arith.constant 0 : index
    %swap3A_96 = vector.load %arg16[%swap3A, %swap3A_95] : memref<3072x128xf32, #tpu.memory_space<vmem>>, vector<3072x128xf32>
    tpu.vector_store %arg16[%swap3A, %swap3A_95], %add3A_94 {strides = array<i32>} : memref<3072x128xf32, #tpu.memory_space<vmem>>, vector<3072x128xf32>,
    return
  }
  func.func @transform_0(%arg0: i32) -> (i32, i32) {
    %c0_i32 = arith.constant 0 : i32
    %c0_i32_0 = arith.constant 0 : i32
    return %arg0, %c0_i32 : i32, i32
  }
  func.func @transform_1(%arg0: i32) -> (i32, i32) {
    %c0_i32 = arith.constant 0 : i32
    %c0_i32_0 = arith.constant 0 : i32
    return %arg0, %c0_i32 : i32, i32
  }
  func.func @transform_2(%arg0: i32) -> (i32, i32) {
    %c0_i32 = arith.constant 0 : i32
    %c0_i32_0 = arith.constant 0 : i32
    return %arg0, %c0_i32 : i32, i32
  }
  func.func @transform_3(%arg0: i32) -> (i32, i32) {
    %c0_i32 = arith.constant 0 : i32
    %c0_i32_0 = arith.constant 0 : i32
    %c0_i32_1 = arith.constant 0 : i32
    return %c0_i32, %c0_i32_0 : i32, i32
  }
  func.func @transform_4(%arg0: i32) -> (i32, i32) {
    %c0_i32 = arith.constant 0 : i32
    %c0_i32_0 = arith.constant 0 : i32
    %c0_i32_1 = arith.constant 0 : i32
    return %c0_i32, %c0_i32_0 : i32, i32
  }
  func.func @transform_5(%arg0: i32) -> (i32, i32) {
    %c0_i32 = arith.constant 0 : i32
    %c0_i32_0 = arith.constant 0 : i32
    %c0_i32_1 = arith.constant 0 : i32
    return %c0_i32, %c0_i32_0 : i32, i32
  }
  func.func @transform_6(%arg0: i32) -> (i32, i32) {
    %c0_i32 = arith.constant 0 : i32
    %c0_i32_0 = arith.constant 0 : i32
    %c0_i32_1 = arith.constant 0 : i32
    return %c0_i32, %c0_i32_0 : i32, i32
  }
  func.func @transform_7(%arg0: i32) -> (i32, i32) {
    %c0_i32 = arith.constant 0 : i32
    %c0_i32_0 = arith.constant 0 : i32
    %c0_i32_1 = arith.constant 0 : i32
    return %c0_i32, %c0_i32_0 : i32, i32
  }
  func.func @transform_8(%arg0: i32) -> (i32, i32) {
    %c0_i32 = arith.constant 0 : i32
    %c0_i32_0 = arith.constant 0 : i32
    %c0_i32_1 = arith.constant 0 : i32
    return %c0_i32, %c0_i32_0 : i32, i32
  }
  func.func @transform_9(%arg0: i32) -> (i32, i32) {
    %c0_i32 = arith.constant 0 : i32
    %c0_i32_0 = arith.constant 0 : i32
    %c0_i32_1 = arith.constant 0 : i32
    return %c0_i32, %c0_i32_0 : i32, i32
  }
  func.func @transform_10(%arg0: i32) -> (i32, i32) {
    %c0_i32 = arith.constant 0 : i32
    %c0_i32_0 = arith.constant 0 : i32
    %c0_i32_1 = arith.constant 0 : i32
    return %c0_i32, %c0_i32_0 : i32, i32
  }
  func.func @transform_11(%arg0: i32) -> (i32, i32) {
    %c0_i32 = arith.constant 0 : i32
    %c0_i32_0 = arith.constant 0 : i32
    %c0_i32_1 = arith.constant 0 : i32
    return %c0_i32, %c0_i32_0 : i32, i32
  }
  func.func @transform_12(%arg0: i32) -> (i32, i32) {
    %c0_i32 = arith.constant 0 : i32
    %c0_i32_0 = arith.constant 0 : i32
    %c0_i32_1 = arith.constant 0 : i32
    return %c0_i32, %c0_i32_0 : i32, i32
  }
  func.func @transform_13(%arg0: i32) -> (i32, i32) {
    %c0_i32 = arith.constant 0 : i32
    %c0_i32_0 = arith.constant 0 : i32
    %c0_i32_1 = arith.constant 0 : i32
    return %c0_i32, %c0_i32_0 : i32, i32
  }
  func.func @transform_14(%arg0: i32) -> (i32, i32) {
    %c0_i32 = arith.constant 0 : i32
    %c0_i32_0 = arith.constant 0 : i32
    %c0_i32_1 = arith.constant 0 : i32
    return %c0_i32, %c0_i32_0 : i32, i32
  }
  func.func @transform_15(%arg0: i32) -> (i32, i32) {
    %c0_i32 = arith.constant 0 : i32
    %c0_i32_0 = arith.constant 0 : i32
    return %arg0, %c0_i32 : i32, i32
  }
}

</mosaic_0001>

<sc_bundles>
// kernel: kernel.5.cloned.1.call-start
scs
__scs_entry_jumppad:
0x0: {  	(pc) =	sbr.rel $0x88, $3  }
0x1: {  	(tag) =	ssettag $0x0;
	lr =	simm.s32 $0x1  }
0x2: {  	[smem:$0x3F9B] =	sst lr;
	_ =	strace $0xD0000000  }
0x3: {  	_ = 	snop  }
0x4: {  	_ = 	snop  }
0x5: {  	_ = 	snop  }
0x6: {  	_ = 	snop  }
0x7: {  	_ = 	snop  }
__scs_overlays_trampoline_lowered:
0x8: {  	[smem:$0x3FAA] =	sst s0  }
0x9: {  	[smem:$0x3FAB] =	sst s1  }
0xa: {  	[smem:$0x3FAC] =	sst s2  }
0xb: {  	[smem:$0x3FAD] =	sst s3  }
0xc: {  	[smem:$0x3FAE] =	sst s4  }
0xd: {  	[smem:$0x3FAF] =	sst s5  }
0xe: {  	[smem:$0x3FB0] =	sst s6  }
0xf: {  	[smem:$0x3FB1] =	sst s7  }
0x10: {  	[smem:$0x3FB2] =	sst s8  }
0x11: {  	[smem:$0x3FB3] =	sst s9;
	s0 =	simm.s32 @!p0 $0x0  }
0x12: {  	s1 =	sld [smem:$0x3F99];
	s0 =	simm.s32 @p0 $0x1  }
0x13: {  	[smem:$0x3FB4] =	sst s0;
	s0 =	simm.s32 @!p1 $0x0  }
0x14: {  	s2 =	sld [smem:$0x3F98];
	s0 =	simm.s32 @p1 $0x1  }
0x15: {  	[smem:$0x3FB5] =	sst s0;
	s0 =	simm.s32 @!p2 $0x0  }
0x16: {  	s3 =	sld [smem:$0x3FDB];
	s0 =	simm.s32 @p2 $0x1  }
0x17: {  	s4 =	simm.s32 $0x1BF5;
	[smem:$0x3FB7] =	sst s0  }
0x18: {  	s0 =	sld [smem:$0x3F9A];
	_ =	swait.ge [sflag:s4], $0x0  }
0x19: {  	s7 =	sld [smem:$0x3F9B]  }
0x1a: {  	s8 =	sadd.s32 $0xFFFFE003, lr  }
0x1b: {  	s9 =	sadd.s32 $0xFFFFFEF7, lr;
	s5 =	simm.s32 $0xFFFFFFFF;
	p2 =	slt.u32 s8, $0xFFFFF086  }
0x1c: {  	p1 =	slt.u32 s9, $0xF7A;
	s5 =	simm.s32 @!p2 $0x0  }
0x1d: {  	s5 =	simm.s32 @p1 $0x1;
	p0 =	seq.s32 s7, s2  }
0x1e: {  	s7 =	smul.u32 @!p0 $0xF7A, s2;
	p2 =	seq.s32 @!p0 s5, $0x0  }
0x1f: {  	s9 =	smul.u32 $0xF7A, s1;
	s8 =	simm.s32 @!p0 $0x1BF5;
	p2 =	por !p2, p0  }
0x20: {  	[sflag:s8] =	ssyncset.s32 @!p0 $0xFFFFF086;
	s6 =	sadd.s32 @!p0 s3, s7;
	s7 =	simm.s32 @!p0 $0x108  }
0x21: {  	s3 =	sadd.s32 s3, s9;
	s6 =	sadd.s32 @!p0 $0x88, s6;
	s7 =	simm.s32 @p2 $0x1082  }
0x22: {  	[simem:s7], [sflag:s8] =	dma.local @!p0 [hbm:s6], $0xF7A  }
0x23: {  	s9 =	sor.u32 $0xD0000000, s2;
	s6 =	simm.s32 $0x108;
	_ =	swait.ge @!p0 [sflag:s8], $0x0  }
0x24: {  	s3 =	sadd.s32 $0x88, s3;
	s6 =	simm.s32 @!p1 $0x1082;
	[sflag:s4] =	ssyncset.s32 $0xFFFFF086  }
0x25: {  	[simem:s6], [sflag:s4] =	dma.local [hbm:s3], $0xF7A  }
0x26: {  	[smem:$0x3F9B] =	sst s1;
	(tag) =	ssettag s2;
	_ =	strace s9  }
0x27: {  	s1 =	sld [smem:$0x3FAB]  }
0x28: {  	s2 =	sld [smem:$0x3FAC]  }
0x29: {  	s4 =	sld [smem:$0x3FAE]  }
0x2a: {  	p0 =	seq.s32 s5, $0x0;
	s5 =	sld [smem:$0x3FAF]  }
0x2b: {  	s6 =	sld [smem:$0x3FB0]  }
0x2c: {  	s7 =	sld [smem:$0x3FB1]  }
0x2d: {  	s3 =	simm.s32 $0x108;
	s8 =	sld [smem:$0x3FB2]  }
0x2e: {  	s3 =	simm.s32 @!p0 $0x1082;
	s9 =	sld [smem:$0x3FB3]  }
0x2f: {  	lr =	sadd.s32 s0, s3;
	s0 =	sld [smem:$0x3FAA]  }
0x30: {  	s3 =	sld [smem:$0x3FAD]  }
0x31: {  	[smem:$0x3FB6] =	sst s10  }
0x32: {  	s10 =	sld [smem:$0x3FB4];
	_ =	sdelay $0x3  }
0x33: {  	p0 =	seq.s32 s10, $0x1;
	s10 =	sld [smem:$0x3FB6];
	_ =	sdelay $0x3  }
0x34: {  	[smem:$0x3FB6] =	sst s10  }
0x35: {  	s10 =	sld [smem:$0x3FB5];
	_ =	sdelay $0x3  }
0x36: {  	p1 =	seq.s32 s10, $0x1;
	s10 =	sld [smem:$0x3FB6];
	_ =	sdelay $0x3  }
0x37: {  	[smem:$0x3FB6] =	sst s10  }
0x38: {  	s10 =	sld [smem:$0x3FB7]  }
0x39: {  	_ = 	snop;
	(pc) =	sbr.ind lr, $3  }
0x3a: {  	_ = 	snop  }
0x3b: {  	_ = 	snop  }
0x3c: {  	p2 =	seq.s32 s10, $0x1;
	s10 =	sld [smem:$0x3FB6]  }
0x3d: {  	_ =	shalt  }
0x3e: {  	_ =	shalt  }
0x3f: {  	_ =	shalt  }
0x40: {  	_ =	shalt  }
0x41: {  	_ =	shalt  }
0x42: {  	_ =	shalt  }
0x43: {  	_ =	shalt  }
0x44: {  	_ =	shalt  }
0x45: {  	_ =	shalt  }
0x46: {  	_ =	shalt  }
0x47: {  	_ =	shalt  }
0x48: {  	_ =	shalt  }
0x49: {  	_ =	shalt  }
0x4a: {  	_ =	shalt  }
0x4b: {  	_ =	shalt  }
0x4c: {  	_ =	shalt  }
0x4d: {  	_ =	shalt  }
0x4e: {  	_ =	shalt  }
0x4f: {  	_ =	shalt  }
0x50: {  	_ =	shalt  }
0x51: {  	_ =	shalt  }
0x52: {  	_ =	shalt  }
0x53: {  	_ =	shalt  }
0x54: {  	_ =	shalt  }
0x55: {  	_ =	shalt  }
0x56: {  	_ =	shalt  }
0x57: {  	_ =	shalt  }
0x58: {  	_ =	shalt  }
0x59: {  	_ =	shalt  }
0x5a: {  	_ =	shalt  }
0x5b: {  	_ =	shalt  }
0x5c: {  	_ =	shalt  }
0x5d: {  	_ =	shalt  }
0x5e: {  	_ =	shalt  }
0x5f: {  	_ =	shalt  }
0x60: {  	_ =	shalt  }
0x61: {  	_ =	shalt  }
0x62: {  	_ =	shalt  }
0x63: {  	_ =	shalt  }
0x64: {  	_ =	shalt  }
0x65: {  	_ =	shalt  }
0x66: {  	_ =	shalt  }
0x67: {  	_ =	shalt  }
0x68: {  	_ =	shalt  }
0x69: {  	_ =	shalt  }
0x6a: {  	_ =	shalt  }
0x6b: {  	_ =	shalt  }
0x6c: {  	_ =	shalt  }
0x6d: {  	_ =	shalt  }
0x6e: {  	_ =	shalt  }
0x6f: {  	_ =	shalt  }
0x70: {  	_ =	shalt  }
0x71: {  	_ =	shalt  }
0x72: {  	_ =	shalt  }
0x73: {  	_ =	shalt  }
0x74: {  	_ =	shalt  }
0x75: {  	_ =	shalt  }
0x76: {  	_ =	shalt  }
0x77: {  	_ =	shalt  }
0x78: {  	_ =	shalt  }
0x79: {  	_ =	shalt  }
0x7a: {  	_ =	shalt  }
0x7b: {  	_ =	shalt  }
0x7c: {  	_ =	shalt  }
0x7d: {  	_ =	shalt  }
0x7e: {  	_ =	shalt  }
0x7f: {  	_ =	shalt  }
0x80: {  	_ =	shalt  }
0x81: {  	_ =	shalt  }
0x82: {  	_ =	shalt  }
0x83: {  	_ =	shalt  }
0x84: {  	_ =	shalt  }
0x85: {  	_ =	shalt  }
0x86: {  	_ =	shalt  }
0x87: {  	_ =	shalt  }
.Lfunc_end0:
.L_simem_size_0:
called_computation_lowered:
.L_overlay_start_0:
0x88: {  	s2 =	sld [smem:$0x3FD9]  }
0x89: {  	s3 =	sld [smem:$0x3FFE];
	_ =	sdelay $0x1  }
0x8a: {  	s1 =	srdreg.scid  }
0x8b: {  	s0 =	sand.u32 $0x1, s1  }
0x8c: {  	s14 =	sshll.u32 s0, $0xA;
	s2 =	sadd.s32 s3, s2  }
0x8d: {  	s2 =	sadd.s32 s2, s14  }
0x8e: {  	[smem:$0x3FC2] =	sst s2  }
0x8f: {  	_ = 	snop  }
0x90: {  	s2 =	sld [smem:$0x3FD0];
	_ =	sdelay $0x2  }
0x91: {  	s15 =	simm.s32 $0xA;
	s4 =	simm.s32 $0x10  }
0x92: {  	[smem:s4], [sflag:s15] =	dma.local [hbm:s2], $0x1  }
0x93: {  	_ =	swait.eq [sflag:s15], $0x1  }
0x94: {  	[sflag:s15] =	ssyncset.done $0x0  }
0x95: {  	[sflag:s15] =	ssyncadd.s32 $0xFFFFFFFF  }
0x96: {  	s16 =	sld [smem:$0x10];
	(tm) =	ssettm $0x1  }
0x97: {  	s17 =	sld [smem:$0x3FFB];
	_ =	sdelay $0x3  }
0x98: {  	_ =	strace s17  }
0x99: {  	s3 =	sld [smem:$0x3FFC];
	_ =	sdelay $0x3  }
0x9a: {  	_ =	strace s3  }
0x9b: {  	s3 =	sld [smem:$0x3FFD];
	_ =	sdelay $0x3  }
0x9c: {  	_ =	strace s3  }
0x9d: {  	_ =	strace $0x8FFFFFFF  }
0x9e: {  	s18 =	sld [smem:$0x3FDB];
	_ =	sdelay $0x1  }
0x9f: {  	s19 =	simm.s32 $_scs_section_size  }
0xa0: {  	s5 =	simm.s32 $_size__tile_overlayer_lowered;
	s6 =	simm.s32 $_tile_overlayer_lowered  }
0xa1: {  	s22 =	simm.s32 $0x1BFF;
	s21 =	sshll.u32 s6, $0x1;
	s3 =	sadd.s32 s19, s18  }
0xa2: {  	s7 =	simm.s32 $0x0;
	s20 =	sshll.u32 s5, $0x1;
	s5 =	sadd.s32 s21, s3  }
0xa3: {  	[timem:s7], [sflag:s22] =	dma.local [hbm:s5], s20  }
0xa4: {  	_ =	swait.ge [sflag:s22], s20  }
0xa5: {  	s4 =	ssub.s32 $0x0, s20;
	[sflag:s22] =	ssyncset.done $0x0  }
0xa6: {  	[sflag:s22] =	ssyncadd.s32 s4;
	_ =	sdelay $0x1  }
0xa7: {  	s23 =	simm.s32 $0x1B8B  }
0xa8: {  	_ =	swait.ge [sflag:s23], $0x1  }
0xa9: {  	[sflag:s23] =	ssyncset.done $0x0  }
0xaa: {  	s25 =	simm.s32 $0x1B8E;
	s24 =	sld [smem:$0x3FFE];
	[sflag:s23] =	ssyncadd.s32 $0xFFFFFFFF  }
0xab: {  	s26 =	simm.s32 $execute0_lowered;
	[smem:$0x3FD2] =	sst s25  }
0xac: {  	s5 =	sshll.u32 s26, $0x1;
	_ =	strace $0x80000046;
	[dreg:$0x1] =	wrdreg $0xFFFFFFFF  }
0xad: {  	s28 =	simm.s32 $_size_execute0_lowered;
	s3 =	sadd.s32 s3, s5;
	[dreg:$0x0] =	wrdreg $0x0  }
0xae: {  	s5 =	sshll.u32 s28, $0x1;
	[dreg:$0x2] =	wrdreg s3  }
0xaf: {  	[dreg:$0x3] =	wrdreg s5  }
0xb0: {  	[dreg:$0x4] =	wrdreg $0xC0  }
0xb1: {  	_ =	task [dreg:s7], $0x5FFFF  }
0xb2: {  	[dreg:$0x1] =	wrdreg $0xFFFFFFFF  }
0xb3: {  	[dreg:$0x0] =	wrdreg $0x60  }
0xb4: {  	[dreg:$0x2] =	wrdreg s24  }
0xb5: {  	[dreg:$0x3] =	wrdreg s16  }
0xb6: {  	[dreg:$0x4] =	wrdreg $0x9  }
0xb7: {  	_ =	task.clear_ibuf [dreg:s7], $0x5FFFF;
	_ =	strace $0x90000046  }
0xb8: {  	s29 =	simm.s32 $0x9;
	_ =	strace $0x80000048  }
0xb9: {  	_ =	swait.ge [sflag:s29], $0x1  }
0xba: {  	[sflag:s29] =	ssyncadd.s32 $0xFFFFFFFF  }
0xbb: {  	_ =	strace $0x90000048  }
0xbc: {  	_ =	sfence  }
0xbd: {  	s30 =	sld [smem:$0x0];
	_ =	sdelay $0x2  }
0xbe: {  	s31 =	sshll.u32 s1, $0xD;
	s1 =	sshrl.u32 s1, $0x2  }
0xbf: {  	s3 =	sand.u32 $0x4000, s31;
	s1 =	sadd.s32 s1, s30  }
0xc0: {  	s0 =	sor.u32 s3, s0;
	s1 =	sshll.u32 s1, $0x11  }
0xc1: {  	s0 =	sor.u32 s1, s0  }
0xc2: {  	s0 =	sadd.s32 $0x8F2B, s0  }
0xc3: {  	[sflag:s0] =	ssyncadd.remote.s32 $0x1  }
0xc4: {  	_ =	sfence.sel $0xFFFF  }
0xc5: {  	[dreg:$0x0] =	wrdreg $0xFFFFFFFF;
	(pc) =	sbr.abs _section_cstart, $3  }
0xc6: {  	[dreg:$0x1] =	wrdreg $0xFFFFFFFF  }
0xc7: {  	_ =	task.clear_ibuf [dreg:s7], $0x2FFFF;
	_ =	strace $0x9FFFFFFF  }
0xc8: {  	(tm) =	ssettm $0x7FFFFFFF  }
0xc9: {  	_ =	shalt  }
tec
execute0_lowered:
.L_overlay_start_1:
0x0: {  	(tag) =	ssettag $0x1  }
0x1: {  	s0 =	srdreg.scid;
	s2 =	stileid.u32  }
0x2: {  	s4 =	rddreg [dreg:$0x0];
	s1 =	sand.u32 $0x1, s0;
	s2 =	sshll.u32 s2, $0x1  }
0x3: {  	s3 =	rddreg [dreg:$0x1];
	s0 =	sor.u32 s1, s2;
	s2 =	simm.s32 $0x0  }
0x4: {  	s6 =	simm.s32 $0x1C00;
	[smem:$0x7FF] =	sst s2  }
0x5: {  	s7 =	simm.s32 $0x180;
	_ =	strace $0x80000047;
	[dreg:$0x7] =	wrdreg s6  }
0x6: {  	s8 =	simm.s32 $0x2400;
	[dreg:$0x8] =	wrdreg s7  }
0x7: {  	s9 =	simm.s32 $0x200;
	[dreg:$0x9] =	wrdreg s8  }
0x8: {  	s10 =	simm.s32 $0x2C00;
	[dreg:$0xa] =	wrdreg s9  }
0x9: {  	s11 =	simm.s32 $0x280;
	[dreg:$0xb] =	wrdreg s10  }
0xa: {  	s12 =	simm.s32 $0x3400;
	[dreg:$0xc] =	wrdreg s11  }
0xb: {  	s13 =	simm.s32 $0x300;
	[dreg:$0xd] =	wrdreg s12  }
0xc: {  	s14 =	simm.s32 $0x3C00;
	[dreg:$0xe] =	wrdreg s13  }
0xd: {  	s15 =	simm.s32 $0x380;
	[dreg:$0xf] =	wrdreg s14  }
0xe: {  	s16 =	simm.s32 $0x4400;
	[dreg:$0x10] =	wrdreg s15  }
0xf: {  	s17 =	simm.s32 $0x400;
	[dreg:$0x11] =	wrdreg s16  }
0x10: {  	s18 =	simm.s32 $0x4C00;
	[dreg:$0x12] =	wrdreg s17  }
0x11: {  	s19 =	simm.s32 $0x480;
	[dreg:$0x13] =	wrdreg s18  }
0x12: {  	s20 =	simm.s32 $0x5400;
	[dreg:$0x14] =	wrdreg s19  }
0x13: {  	s21 =	simm.s32 $0x500;
	[dreg:$0x15] =	wrdreg s20  }
0x14: {  	s22 =	simm.s32 $0x5C00;
	[dreg:$0x16] =	wrdreg s21  }
0x15: {  	s23 =	simm.s32 $0x580;
	s5 =	smul.u32 $0x180, s0;
	[dreg:$0x17] =	wrdreg s22  }
0x16: {  	s24 =	simm.s32 $0x6400;
	s0 =	smul.u32 $0x1800, s0;
	[dreg:$0x18] =	wrdreg s23  }
0x17: {  	s25 =	simm.s32 $0x600;
	[dreg:$0x19] =	wrdreg s24  }
0x18: {  	[dreg:$0x1a] =	wrdreg s25;
	s0 =	sadd.s32 s3, s0  }
0x19: {  	s5 =	sadd.s32 s5, s4;
	s3 =	simm.s32 $0x1400;
	[dreg:$0x4] =	wrdreg s0  }
0x1a: {  	s5 =	sadd.s32 $0x3200, s5;
	[dreg:$0x5] =	wrdreg s3  }
0x1b: {  	[dreg:$0x3] =	wrdreg s5;
	s5 =	simm.s32 $0x100  }
0x1c: {  	[dreg:$0x6] =	wrdreg s5  }
0x1d: {  	s3 =	simm.s32 $0x2;
	s5 =	rddreg [dreg:$0x3]  }
0x1e: {  	[tilespmem:s2], [sflag:$0x2] =	stream.linear.gather [hbm4b:s5+s2], $0xC00, $0x38;
	[tilespmem:$0xCC00] =	vst v63  }
0x1f: {  	_ =	swait.ge [sflag:s3], $0xC00  }
0x20: {  	s0 =	rddreg [dreg:$0x19]  }
0x21: {  	s7 =	rddreg [dreg:$0x17]  }
0x22: {  	s8 =	rddreg [dreg:$0x15]  }
0x23: {  	s9 =	rddreg [dreg:$0x13]  }
0x24: {  	s10 =	rddreg [dreg:$0x11]  }
0x25: {  	s11 =	rddreg [dreg:$0xf]  }
0x26: {  	s12 =	rddreg [dreg:$0xd]  }
0x27: {  	s6 =	simm.s32 $0x80;
	s13 =	rddreg [dreg:$0xb]  }
0x28: {  	s5 =	sadd.s32 $0x2200, s4;
	s14 =	rddreg [dreg:$0x6];
	[sflag:s3] =	ssyncset.done $0x0  }
0x29: {  	s4 =	simm.s32 $0xC00;
	s15 =	rddreg [dreg:$0x5];
	[sflag:s3] =	ssyncadd.s32 $0xFFFFF400  }
0x2a: {  	[tilespmem:s4], [sflag:$0x1] =	stream.indirect.gather [hbm4b:s5+s6], $0x10, s2, s6, $0xb8;
	[tilespmem:$0xCC00] =	vst v63  }
0x2b: {  	s16 =	rddreg [dreg:$0x7]  }
0x2c: {  	[tilespmem:s15], [sflag:$0x1] =	stream.indirect.gather [hbm4b:s5+s6], $0x10, s6, s6, $0xb8;
	[tilespmem:$0xCC00] =	vst v63  }
0x2d: {  	s17 =	rddreg [dreg:$0x9]  }
0x2e: {  	[tilespmem:s16], [sflag:$0x1] =	stream.indirect.gather [hbm4b:s5+s6], $0x10, s14, s6, $0xb8;
	[tilespmem:$0xCC00] =	vst v63  }
0x2f: {  	s26 =	rddreg [dreg:$0x8]  }
0x30: {  	[tilespmem:s17], [sflag:$0x1] =	stream.indirect.gather [hbm4b:s5+s6], $0x10, s26, s6, $0xb8;
	[tilespmem:$0xCC00] =	vst v63  }
0x31: {  	s16 =	rddreg [dreg:$0xa]  }
0x32: {  	[tilespmem:s13], [sflag:$0x1] =	stream.indirect.gather [hbm4b:s5+s6], $0x10, s16, s6, $0xb8;
	[tilespmem:$0xCC00] =	vst v63  }
0x33: {  	s18 =	rddreg [dreg:$0xc]  }
0x34: {  	[tilespmem:s12], [sflag:$0x1] =	stream.indirect.gather [hbm4b:s5+s6], $0x10, s18, s6, $0xb8;
	[tilespmem:$0xCC00] =	vst v63  }
0x35: {  	s19 =	rddreg [dreg:$0xe]  }
0x36: {  	[tilespmem:s11], [sflag:$0x1] =	stream.indirect.gather [hbm4b:s5+s6], $0x10, s19, s6, $0xb8;
	[tilespmem:$0xCC00] =	vst v63  }
0x37: {  	s20 =	rddreg [dreg:$0x10]  }
0x38: {  	[tilespmem:s10], [sflag:$0x1] =	stream.indirect.gather [hbm4b:s5+s6], $0x10, s20, s6, $0xb8;
	[tilespmem:$0xCC00] =	vst v63  }
0x39: {  	s21 =	rddreg [dreg:$0x12]  }
0x3a: {  	[tilespmem:s9], [sflag:$0x1] =	stream.indirect.gather [hbm4b:s5+s6], $0x10, s21, s6, $0xb8;
	[tilespmem:$0xCC00] =	vst v63  }
0x3b: {  	s22 =	rddreg [dreg:$0x14]  }
0x3c: {  	[tilespmem:s8], [sflag:$0x1] =	stream.indirect.gather [hbm4b:s5+s6], $0x10, s22, s6, $0xb8;
	[tilespmem:$0xCC00] =	vst v63  }
0x3d: {  	s23 =	rddreg [dreg:$0x16]  }
0x3e: {  	[tilespmem:s7], [sflag:$0x1] =	stream.indirect.gather [hbm4b:s5+s6], $0x10, s23, s6, $0xb8;
	[tilespmem:$0xCC00] =	vst v63  }
0x3f: {  	s24 =	rddreg [dreg:$0x18]  }
0x40: {  	[tilespmem:s0], [sflag:$0x1] =	stream.indirect.gather [hbm4b:s5+s6], $0x10, s24, s6, $0xb8;
	[tilespmem:$0xCC00] =	vst v63  }
0x41: {  	s25 =	rddreg [dreg:$0x1a];
	s26 =	simm.s32 $0x6C00  }
0x42: {  	[tilespmem:s26], [sflag:$0x1] =	stream.indirect.gather [hbm4b:s5+s6], $0x10, s25, s6, $0xb8;
	[tilespmem:$0xCC00] =	vst v63  }
0x43: {  	s8 =	simm.s32 $0x7400;
	s7 =	simm.s32 $0x680  }
0x44: {  	[tilespmem:s8], [sflag:$0x1] =	stream.indirect.gather [hbm4b:s5+s6], $0x10, s7, s6, $0xb8;
	[tilespmem:$0xCC00] =	vst v63  }
0x45: {  	s10 =	simm.s32 $0x7C00;
	s9 =	simm.s32 $0x700  }
0x46: {  	[tilespmem:s10], [sflag:$0x1] =	stream.indirect.gather [hbm4b:s5+s6], $0x10, s9, s6, $0xb8;
	[tilespmem:$0xCC00] =	vst v63  }
0x47: {  	s12 =	simm.s32 $0x8400;
	s11 =	simm.s32 $0x780  }
0x48: {  	[tilespmem:s12], [sflag:$0x1] =	stream.indirect.gather [hbm4b:s5+s6], $0x10, s11, s6, $0xb8;
	[tilespmem:$0xCC00] =	vst v63  }
0x49: {  	s14 =	simm.s32 $0x8C00;
	s13 =	simm.s32 $0x800  }
0x4a: {  	[tilespmem:s14], [sflag:$0x1] =	stream.indirect.gather [hbm4b:s5+s6], $0x10, s13, s6, $0xb8;
	[tilespmem:$0xCC00] =	vst v63  }
0x4b: {  	s15 =	simm.s32 $0x880;
	s16 =	simm.s32 $0x9400  }
0x4c: {  	[tilespmem:s16], [sflag:$0x1] =	stream.indirect.gather [hbm4b:s5+s6], $0x10, s15, s6, $0xb8;
	[tilespmem:$0xCC00] =	vst v63  }
0x4d: {  	s18 =	simm.s32 $0x900;
	s19 =	simm.s32 $0x9C00  }
0x4e: {  	[tilespmem:s19], [sflag:$0x1] =	stream.indirect.gather [hbm4b:s5+s6], $0x10, s18, s6, $0xb8;
	[tilespmem:$0xCC00] =	vst v63  }
0x4f: {  	s20 =	simm.s32 $0x980;
	s21 =	simm.s32 $0xA400  }
0x50: {  	[tilespmem:s21], [sflag:$0x1] =	stream.indirect.gather [hbm4b:s5+s6], $0x10, s20, s6, $0xb8;
	[tilespmem:$0xCC00] =	vst v63  }
0x51: {  	s22 =	simm.s32 $0xA00;
	s23 =	simm.s32 $0xAC00  }
0x52: {  	[tilespmem:s23], [sflag:$0x1] =	stream.indirect.gather [hbm4b:s5+s6], $0x10, s22, s6, $0xb8;
	[tilespmem:$0xCC00] =	vst v63  }
0x53: {  	s24 =	simm.s32 $0xA80;
	s25 =	simm.s32 $0xB400  }
0x54: {  	[tilespmem:s25], [sflag:$0x1] =	stream.indirect.gather [hbm4b:s5+s6], $0x10, s24, s6, $0xb8;
	[tilespmem:$0xCC00] =	vst v63  }
0x55: {  	s28 =	simm.s32 $0xB00;
	s29 =	simm.s32 $0xBC00  }
0x56: {  	[tilespmem:s29], [sflag:$0x1] =	stream.indirect.gather [hbm4b:s5+s6], $0x10, s28, s6, $0xb8;
	[tilespmem:$0xCC00] =	vst v63  }
0x57: {  	s30 =	simm.s32 $0xB80;
	s31 =	simm.s32 $0xC400;
	s26 =	simm.s32 $0x1  }
0x58: {  	[tilespmem:s31], [sflag:$0x1] =	stream.indirect.gather [hbm4b:s5+s6], $0x10, s30, s6, $0xb8;
	[tilespmem:$0xCC00] =	vst v63  }
0x59: {  	_ =	swait.ge [sflag:s26], $0x800  }
0x5a: {  	[sflag:s26] =	ssyncset.done $0x0  }
0x5b: {  	[sflag:s26] =	ssyncadd.s32 $0xFFFFF800  }
0x5c: {  	_ =	swait.ge [sflag:s26], $0x800  }
0x5d: {  	[sflag:s26] =	ssyncset.done $0x0  }
0x5e: {  	[sflag:s26] =	ssyncadd.s32 $0xFFFFF800  }
0x5f: {  	_ =	swait.ge [sflag:s26], $0x800  }
0x60: {  	[sflag:s26] =	ssyncset.done $0x0  }
0x61: {  	[sflag:s26] =	ssyncadd.s32 $0xFFFFF800  }
0x62: {  	_ =	swait.ge [sflag:s26], $0x800  }
0x63: {  	[sflag:s26] =	ssyncset.done $0x0  }
0x64: {  	[sflag:s26] =	ssyncadd.s32 $0xFFFFF800  }
0x65: {  	_ =	swait.ge [sflag:s26], $0x800  }
0x66: {  	[sflag:s26] =	ssyncset.done $0x0  }
0x67: {  	[sflag:s26] =	ssyncadd.s32 $0xFFFFF800  }
0x68: {  	_ =	swait.ge [sflag:s26], $0x800  }
0x69: {  	[sflag:s26] =	ssyncset.done $0x0  }
0x6a: {  	[sflag:s26] =	ssyncadd.s32 $0xFFFFF800  }
0x6b: {  	_ =	swait.ge [sflag:s26], $0x800  }
0x6c: {  	[sflag:s26] =	ssyncset.done $0x0  }
0x6d: {  	[sflag:s26] =	ssyncadd.s32 $0xFFFFF800  }
0x6e: {  	_ =	swait.ge [sflag:s26], $0x800  }
0x6f: {  	[sflag:s26] =	ssyncset.done $0x0  }
0x70: {  	[sflag:s26] =	ssyncadd.s32 $0xFFFFF800  }
0x71: {  	_ =	swait.ge [sflag:s26], $0x800  }
0x72: {  	[sflag:s26] =	ssyncset.done $0x0  }
0x73: {  	[sflag:s26] =	ssyncadd.s32 $0xFFFFF800  }
0x74: {  	_ =	swait.ge [sflag:s26], $0x800  }
0x75: {  	[sflag:s26] =	ssyncset.done $0x0  }
0x76: {  	[sflag:s26] =	ssyncadd.s32 $0xFFFFF800  }
0x77: {  	_ =	swait.ge [sflag:s26], $0x800  }
0x78: {  	[sflag:s26] =	ssyncset.done $0x0  }
0x79: {  	[sflag:s26] =	ssyncadd.s32 $0xFFFFF800  }
0x7a: {  	_ =	swait.ge [sflag:s26], $0x800  }
0x7b: {  	[sflag:s26] =	ssyncset.done $0x0  }
0x7c: {  	[sflag:s26] =	ssyncadd.s32 $0xFFFFF800  }
0x7d: {  	_ =	swait.ge [sflag:s26], $0x800  }
0x7e: {  	[sflag:s26] =	ssyncset.done $0x0  }
0x7f: {  	[sflag:s26] =	ssyncadd.s32 $0xFFFFF800  }
0x80: {  	_ =	swait.ge [sflag:s26], $0x800  }
0x81: {  	[sflag:s26] =	ssyncset.done $0x0  }
0x82: {  	[sflag:s26] =	ssyncadd.s32 $0xFFFFF800  }
0x83: {  	_ =	swait.ge [sflag:s26], $0x800  }
0x84: {  	[sflag:s26] =	ssyncset.done $0x0  }
0x85: {  	[sflag:s26] =	ssyncadd.s32 $0xFFFFF800  }
0x86: {  	_ =	swait.ge [sflag:s26], $0x800  }
0x87: {  	[sflag:s26] =	ssyncset.done $0x0  }
0x88: {  	[sflag:s26] =	ssyncadd.s32 $0xFFFFF800  }
0x89: {  	_ =	swait.ge [sflag:s26], $0x800  }
0x8a: {  	[sflag:s26] =	ssyncset.done $0x0  }
0x8b: {  	[sflag:s26] =	ssyncadd.s32 $0xFFFFF800  }
0x8c: {  	_ =	swait.ge [sflag:s26], $0x800  }
0x8d: {  	[sflag:s26] =	ssyncset.done $0x0  }
0x8e: {  	[sflag:s26] =	ssyncadd.s32 $0xFFFFF800  }
0x8f: {  	_ =	swait.ge [sflag:s26], $0x800  }
0x90: {  	[sflag:s26] =	ssyncset.done $0x0  }
0x91: {  	s17 =	ssub.s32 $0x2, s1;
	[sflag:s26] =	ssyncadd.s32 $0xFFFFF800  }
0x92: {  	s1 =	sshrl.u32 s17, $0x1;
	_ =	swait.ge [sflag:s26], $0x800  }
0x93: {  	s0 =	ssub.s32 s17, s1;
	[sflag:s26] =	ssyncset.done $0x0  }
0x94: {  	s0 =	smax.u32 s0, $0x1;
	[sflag:s26] =	ssyncadd.s32 $0xFFFFF800  }
0x95: {  	p0 =	sne.s32 s0, $0x1;
	_ =	swait.ge [sflag:s26], $0x800  }
.Ltmp0:
0x96: {  	[sflag:s26] =	ssyncset.done $0x0;
	(pc) =	sbr.rel @!p0 .LBB2_2-.Ltmp0, $4  }
0x97: {  	[sflag:s26] =	ssyncadd.s32 $0xFFFFF800  }
0x98: {  	_ =	swait.ge [sflag:s26], $0x800  }
0x99: {  	[sflag:s26] =	ssyncset.done $0x0  }
0x9a: {  	s1 =	sadd.s32 $0xFFFFFFFF, s0;
	[sflag:s26] =	ssyncadd.s32 $0xFFFFF800  }
.LBB2_1:
0x9b: {  	_ =	swait.ge [sflag:s26], $0x800  }
0x9c: {  	[sflag:s26] =	ssyncset.done $0x0  }
0x9d: {  	[sflag:s26] =	ssyncadd.s32 $0xFFFFF800  }
0x9e: {  	_ =	swait.ge [sflag:s26], $0x800  }
0x9f: {  	[sflag:s26] =	ssyncset.done $0x0  }
0xa0: {  	s0 =	rddreg [dreg:$0x4];
	[sflag:s26] =	ssyncadd.s32 $0xFFFFF800  }
0xa1: {  	[hbm4b:s0+s2] =	stream.linear.scatter [tilespmem:s4], [sflag:$0x2], $0xC000, $0x38;
	[tilespmem:$0xCC00] =	vst v63  }
0xa2: {  	_ =	swait.ge [sflag:s3], $0xC000  }
0xa3: {  	[sflag:s3] =	ssyncset.done $0x0  }
0xa4: {  	s15 =	rddreg [dreg:$0x3];
	[sflag:s3] =	ssyncadd.s32 $0xFFFF4000  }
0xa5: {  	[tilespmem:s2], [sflag:$0x2] =	stream.linear.gather [hbm4b:s15+s2], $0xC00, $0x38;
	[tilespmem:$0xCC00] =	vst v63  }
0xa6: {  	_ =	swait.ge [sflag:s3], $0xC00  }
0xa7: {  	s0 =	rddreg [dreg:$0x19]  }
0xa8: {  	s7 =	rddreg [dreg:$0x17]  }
0xa9: {  	s8 =	rddreg [dreg:$0x15]  }
0xaa: {  	s9 =	rddreg [dreg:$0x13]  }
0xab: {  	s10 =	rddreg [dreg:$0x11]  }
0xac: {  	s11 =	rddreg [dreg:$0xf]  }
0xad: {  	s12 =	rddreg [dreg:$0xd]  }
0xae: {  	s13 =	rddreg [dreg:$0xb]  }
0xaf: {  	s14 =	rddreg [dreg:$0x6];
	[sflag:s3] =	ssyncset.done $0x0  }
0xb0: {  	s15 =	rddreg [dreg:$0x5];
	[sflag:s3] =	ssyncadd.s32 $0xFFFFF400  }
0xb1: {  	[tilespmem:s4], [sflag:$0x1] =	stream.indirect.gather [hbm4b:s5+s6], $0x10, s2, s6, $0xb8;
	[tilespmem:$0xCC00] =	vst v63  }
0xb2: {  	s16 =	rddreg [dreg:$0x7]  }
0xb3: {  	[tilespmem:s15], [sflag:$0x1] =	stream.indirect.gather [hbm4b:s5+s6], $0x10, s6, s6, $0xb8;
	[tilespmem:$0xCC00] =	vst v63  }
0xb4: {  	s17 =	rddreg [dreg:$0x9]  }
0xb5: {  	[tilespmem:s16], [sflag:$0x1] =	stream.indirect.gather [hbm4b:s5+s6], $0x10, s14, s6, $0xb8;
	[tilespmem:$0xCC00] =	vst v63  }
0xb6: {  	s15 =	rddreg [dreg:$0x8]  }
0xb7: {  	[tilespmem:s17], [sflag:$0x1] =	stream.indirect.gather [hbm4b:s5+s6], $0x10, s15, s6, $0xb8;
	[tilespmem:$0xCC00] =	vst v63  }
0xb8: {  	s16 =	rddreg [dreg:$0xa]  }
0xb9: {  	[tilespmem:s13], [sflag:$0x1] =	stream.indirect.gather [hbm4b:s5+s6], $0x10, s16, s6, $0xb8;
	[tilespmem:$0xCC00] =	vst v63  }
0xba: {  	s17 =	rddreg [dreg:$0xc]  }
0xbb: {  	[tilespmem:s12], [sflag:$0x1] =	stream.indirect.gather [hbm4b:s5+s6], $0x10, s17, s6, $0xb8;
	[tilespmem:$0xCC00] =	vst v63  }
0xbc: {  	s14 =	rddreg [dreg:$0xe]  }
0xbd: {  	[tilespmem:s11], [sflag:$0x1] =	stream.indirect.gather [hbm4b:s5+s6], $0x10, s14, s6, $0xb8;
	[tilespmem:$0xCC00] =	vst v63  }
0xbe: {  	s16 =	rddreg [dreg:$0x10]  }
0xbf: {  	[tilespmem:s10], [sflag:$0x1] =	stream.indirect.gather [hbm4b:s5+s6], $0x10, s16, s6, $0xb8;
	[tilespmem:$0xCC00] =	vst v63  }
0xc0: {  	s17 =	rddreg [dreg:$0x12]  }
0xc1: {  	[tilespmem:s9], [sflag:$0x1] =	stream.indirect.gather [hbm4b:s5+s6], $0x10, s17, s6, $0xb8;
	[tilespmem:$0xCC00] =	vst v63  }
0xc2: {  	s13 =	rddreg [dreg:$0x14]  }
0xc3: {  	[tilespmem:s8], [sflag:$0x1] =	stream.indirect.gather [hbm4b:s5+s6], $0x10, s13, s6, $0xb8;
	[tilespmem:$0xCC00] =	vst v63  }
0xc4: {  	s14 =	rddreg [dreg:$0x16]  }
0xc5: {  	[tilespmem:s7], [sflag:$0x1] =	stream.indirect.gather [hbm4b:s5+s6], $0x10, s14, s6, $0xb8;
	[tilespmem:$0xCC00] =	vst v63  }
0xc6: {  	s15 =	rddreg [dreg:$0x18]  }
0xc7: {  	[tilespmem:s0], [sflag:$0x1] =	stream.indirect.gather [hbm4b:s5+s6], $0x10, s15, s6, $0xb8;
	[tilespmem:$0xCC00] =	vst v63  }
0xc8: {  	s16 =	rddreg [dreg:$0x1a];
	s17 =	simm.s32 $0x6C00  }
0xc9: {  	[tilespmem:s17], [sflag:$0x1] =	stream.indirect.gather [hbm4b:s5+s6], $0x10, s16, s6, $0xb8;
	[tilespmem:$0xCC00] =	vst v63  }
0xca: {  	s9 =	simm.s32 $0x7400;
	s8 =	simm.s32 $0x680  }
0xcb: {  	[tilespmem:s9], [sflag:$0x1] =	stream.indirect.gather [hbm4b:s5+s6], $0x10, s8, s6, $0xb8;
	[tilespmem:$0xCC00] =	vst v63  }
0xcc: {  	s11 =	simm.s32 $0x7C00;
	s10 =	simm.s32 $0x700  }
0xcd: {  	[tilespmem:s11], [sflag:$0x1] =	stream.indirect.gather [hbm4b:s5+s6], $0x10, s10, s6, $0xb8;
	[tilespmem:$0xCC00] =	vst v63  }
0xce: {  	s12 =	simm.s32 $0x780;
	s13 =	simm.s32 $0x8400  }
0xcf: {  	[tilespmem:s13], [sflag:$0x1] =	stream.indirect.gather [hbm4b:s5+s6], $0x10, s12, s6, $0xb8;
	[tilespmem:$0xCC00] =	vst v63  }
0xd0: {  	s14 =	simm.s32 $0x800;
	s15 =	simm.s32 $0x8C00  }
0xd1: {  	[tilespmem:s15], [sflag:$0x1] =	stream.indirect.gather [hbm4b:s5+s6], $0x10, s14, s6, $0xb8;
	[tilespmem:$0xCC00] =	vst v63  }
0xd2: {  	s16 =	simm.s32 $0x880;
	s17 =	simm.s32 $0x9400  }
0xd3: {  	[tilespmem:s17], [sflag:$0x1] =	stream.indirect.gather [hbm4b:s5+s6], $0x10, s16, s6, $0xb8;
	[tilespmem:$0xCC00] =	vst v63  }
0xd4: {  	_ = 	snop  }
0xd5: {  	[tilespmem:s19], [sflag:$0x1] =	stream.indirect.gather [hbm4b:s5+s6], $0x10, s18, s6, $0xb8;
	[tilespmem:$0xCC00] =	vst v63  }
0xd6: {  	_ = 	snop  }
0xd7: {  	[tilespmem:s21], [sflag:$0x1] =	stream.indirect.gather [hbm4b:s5+s6], $0x10, s20, s6, $0xb8;
	[tilespmem:$0xCC00] =	vst v63  }
0xd8: {  	_ = 	snop  }
0xd9: {  	[tilespmem:s23], [sflag:$0x1] =	stream.indirect.gather [hbm4b:s5+s6], $0x10, s22, s6, $0xb8;
	[tilespmem:$0xCC00] =	vst v63  }
0xda: {  	_ = 	snop  }
0xdb: {  	[tilespmem:s25], [sflag:$0x1] =	stream.indirect.gather [hbm4b:s5+s6], $0x10, s24, s6, $0xb8;
	[tilespmem:$0xCC00] =	vst v63  }
0xdc: {  	_ = 	snop  }
0xdd: {  	[tilespmem:s29], [sflag:$0x1] =	stream.indirect.gather [hbm4b:s5+s6], $0x10, s28, s6, $0xb8;
	[tilespmem:$0xCC00] =	vst v63  }
0xde: {  	_ = 	snop  }
0xdf: {  	[tilespmem:s31], [sflag:$0x1] =	stream.indirect.gather [hbm4b:s5+s6], $0x10, s30, s6, $0xb8;
	[tilespmem:$0xCC00] =	vst v63  }
0xe0: {  	_ =	swait.ge [sflag:s26], $0x800  }
0xe1: {  	[sflag:s26] =	ssyncset.done $0x0  }
0xe2: {  	[sflag:s26] =	ssyncadd.s32 $0xFFFFF800  }
0xe3: {  	_ =	swait.ge [sflag:s26], $0x800  }
0xe4: {  	[sflag:s26] =	ssyncset.done $0x0  }
0xe5: {  	[sflag:s26] =	ssyncadd.s32 $0xFFFFF800  }
0xe6: {  	_ =	swait.ge [sflag:s26], $0x800  }
0xe7: {  	[sflag:s26] =	ssyncset.done $0x0  }
0xe8: {  	[sflag:s26] =	ssyncadd.s32 $0xFFFFF800  }
0xe9: {  	_ =	swait.ge [sflag:s26], $0x800  }
0xea: {  	[sflag:s26] =	ssyncset.done $0x0  }
0xeb: {  	[sflag:s26] =	ssyncadd.s32 $0xFFFFF800  }
0xec: {  	_ =	swait.ge [sflag:s26], $0x800  }
0xed: {  	[sflag:s26] =	ssyncset.done $0x0  }
0xee: {  	[sflag:s26] =	ssyncadd.s32 $0xFFFFF800  }
0xef: {  	_ =	swait.ge [sflag:s26], $0x800  }
0xf0: {  	[sflag:s26] =	ssyncset.done $0x0  }
0xf1: {  	[sflag:s26] =	ssyncadd.s32 $0xFFFFF800  }
0xf2: {  	_ =	swait.ge [sflag:s26], $0x800  }
0xf3: {  	[sflag:s26] =	ssyncset.done $0x0  }
0xf4: {  	[sflag:s26] =	ssyncadd.s32 $0xFFFFF800  }
0xf5: {  	_ =	swait.ge [sflag:s26], $0x800  }
0xf6: {  	[sflag:s26] =	ssyncset.done $0x0  }
0xf7: {  	[sflag:s26] =	ssyncadd.s32 $0xFFFFF800  }
0xf8: {  	_ =	swait.ge [sflag:s26], $0x800  }
0xf9: {  	[sflag:s26] =	ssyncset.done $0x0  }
0xfa: {  	[sflag:s26] =	ssyncadd.s32 $0xFFFFF800  }
0xfb: {  	_ =	swait.ge [sflag:s26], $0x800  }
0xfc: {  	[sflag:s26] =	ssyncset.done $0x0  }
0xfd: {  	[sflag:s26] =	ssyncadd.s32 $0xFFFFF800  }
0xfe: {  	_ =	swait.ge [sflag:s26], $0x800  }
0xff: {  	[sflag:s26] =	ssyncset.done $0x0  }
0x100: {  	[sflag:s26] =	ssyncadd.s32 $0xFFFFF800  }
0x101: {  	_ =	swait.ge [sflag:s26], $0x800  }
0x102: {  	[sflag:s26] =	ssyncset.done $0x0  }
0x103: {  	[sflag:s26] =	ssyncadd.s32 $0xFFFFF800  }
0x104: {  	_ =	swait.ge [sflag:s26], $0x800  }
0x105: {  	[sflag:s26] =	ssyncset.done $0x0  }
0x106: {  	[sflag:s26] =	ssyncadd.s32 $0xFFFFF800  }
0x107: {  	_ =	swait.ge [sflag:s26], $0x800  }
0x108: {  	[sflag:s26] =	ssyncset.done $0x0  }
0x109: {  	[sflag:s26] =	ssyncadd.s32 $0xFFFFF800  }
0x10a: {  	_ =	swait.ge [sflag:s26], $0x800  }
0x10b: {  	[sflag:s26] =	ssyncset.done $0x0  }
0x10c: {  	[sflag:s26] =	ssyncadd.s32 $0xFFFFF800  }
0x10d: {  	_ =	swait.ge [sflag:s26], $0x800  }
0x10e: {  	[sflag:s26] =	ssyncset.done $0x0  }
0x10f: {  	[sflag:s26] =	ssyncadd.s32 $0xFFFFF800  }
0x110: {  	_ =	swait.ge [sflag:s26], $0x800  }
0x111: {  	[sflag:s26] =	ssyncset.done $0x0  }
0x112: {  	[sflag:s26] =	ssyncadd.s32 $0xFFFFF800  }
0x113: {  	_ =	swait.ge [sflag:s26], $0x800  }
0x114: {  	[sflag:s26] =	ssyncset.done $0x0  }
0x115: {  	[sflag:s26] =	ssyncadd.s32 $0xFFFFF800  }
0x116: {  	_ =	swait.ge [sflag:s26], $0x800  }
0x117: {  	[sflag:s26] =	ssyncset.done $0x0  }
0x118: {  	[sflag:s26] =	ssyncadd.s32 $0xFFFFF800  }
0x119: {  	_ =	swait.ge [sflag:s26], $0x800  }
0x11a: {  	[sflag:s26] =	ssyncset.done $0x0  }
0x11b: {  	[sflag:s26] =	ssyncadd.s32 $0xFFFFF800  }
0x11c: {  	p0 =	sne.s32 s1, $0x1;
	_ =	swait.ge [sflag:s26], $0x800  }
.Ltmp1:
0x11d: {  	[sflag:s26] =	ssyncset.done $0x0;
	(pc) =	sbr.rel @p0 .LBB2_1-.Ltmp1, $4  }
0x11e: {  	[sflag:s26] =	ssyncadd.s32 $0xFFFFF800  }
0x11f: {  	_ =	swait.ge [sflag:s26], $0x800  }
0x120: {  	[sflag:s26] =	ssyncset.done $0x0  }
0x121: {  	s1 =	sadd.s32 $0xFFFFFFFF, s1;
	[sflag:s26] =	ssyncadd.s32 $0xFFFFF800  }
.LBB2_2:
0x122: {  	_ =	swait.ge [sflag:s26], $0x800  }
0x123: {  	[sflag:s26] =	ssyncset.done $0x0  }
0x124: {  	[sflag:s26] =	ssyncadd.s32 $0xFFFFF800  }
0x125: {  	_ =	swait.ge [sflag:s26], $0x800  }
0x126: {  	[sflag:s26] =	ssyncset.done $0x0  }
0x127: {  	s0 =	rddreg [dreg:$0x4];
	[sflag:s26] =	ssyncadd.s32 $0xFFFFF800  }
0x128: {  	[hbm4b:s0+s2] =	stream.linear.scatter [tilespmem:s4], [sflag:$0x2], $0xC000, $0x38;
	[tilespmem:$0xCC00] =	vst v63  }
0x129: {  	_ =	swait.ge [sflag:s3], $0xC000  }
0x12a: {  	[sflag:s3] =	ssyncset.done $0x0  }
0x12b: {  	[sflag:s3] =	ssyncadd.s32 $0xFFFF4000  }
0x12c: {  	_ =	sfence.sel $0x180000  }
0x12d: {  	[bflag:$0x0] =	sbarrier.arrive $0xFFFF  }
0x12e: {  	_ =	strace $0x90000047  }
0x12f: {  	s31 =	stileid.u32;
	[bflag:$0x2] =	sbarrier.arrive $0xFFFF  }
0x130: {  	p0 =	sne.s32 s31, $0x0;
	s0 =	rddreg [dreg:$0x2]  }
0x131: {  	s0 =	sadd.s32 @!p0 $0x100000, s0  }
0x132: {  	[sflag:s0] =	ssyncadd.tile.s32 @!p0 $0x1;
	_ =	shalt  }
.Lfunc_end2:
_tile_overlayer_lowered:
.L_overlay_start_2:
0x133: {  	(tag) =	ssettag $0x2  }
0x134: {  	s0 =	rddreg [dreg:$0x0];
	s2 =	stileid.u32  }
0x135: {  	s1 =	rddreg [dreg:$0x1];
	p0 =	sne.s32 s2, $0x0  }
0x136: {  	s3 =	rddreg [dreg:$0x2];
	[bflag:$0x3] =	sbarrier.arrive $0xFFFF;
	s2 =	simm.s32 @!p0 $0x1C02  }
0x137: {  	[timem:s3], [sflag:s2] =	dma.local @!p0 [hbm:s0], s1  }
0x138: {  	s0 =	simm.s32 @!p0 $0x2  }
0x139: {  	_ =	swait.ge @!p0 [sflag:s0], s1  }
0x13a: {  	s1 =	ssub.s32 @!p0 $0x0, s1;
	[sflag:s0] =	ssyncset.done @!p0 $0x0  }
0x13b: {  	[sflag:s0] =	ssyncadd.s32 @!p0 s1  }
0x13c: {  	[bflag:$0x3] =	sbarrier.arrive $0xFFFF  }
0x13d: {  	_ =	shalt  }

</sc_bundles>
